<compile_context>
chip_gen: v7x
topology: tpu7x:2x2x1
jax: 0.10.2.dev20260603
libtpu: 0.0.44.dev20260713+nightly
codegen_flags: <defaults>
</compile_context>

<pallas_src>
import functools
import math

import jax
import jax.numpy as jnp
from jax.experimental import pallas as pl

_K = 30
_NUM_RBF = 16
_MAXREL = 32
_TILE = 128
_PAIRS = [(0, 0), (2, 2), (0, 1), (0, 2), (1, 0), (1, 2), (2, 0), (2, 1)]


def _dist_topk_sh_body(ca_ref, cat_ref, dn_ref, ei_ref, sh_ref):
    ca = ca_ref[0]
    cat = cat_ref[0]
    L = ca.shape[0]

    acc = None
    for c in range(3):
        d = ca[:, c:c + 1] - cat[c:c + 1, :]
        d2 = d * d
        acc = d2 if acc is None else acc + d2
    D = jnp.sqrt(acc + 1e-6)

    lane = jax.lax.broadcasted_iota(jnp.int32, (L, L), 1)
    work = D
    vals, idxs = [], []
    for _ in range(_K):
        v = jnp.min(work, axis=1, keepdims=True)
        is_min = work == v
        idx = jnp.min(jnp.where(is_min, lane, L), axis=1, keepdims=True)
        vals.append(v)
        idxs.append(idx)
        work = jnp.where(lane == idx, jnp.float32(jnp.inf), work)
    dn_ref[0] = jnp.concatenate(vals, axis=1)
    ei_ref[0] = jnp.concatenate(idxs, axis=1)

    x = ca[:, 0:1]
    y = ca[:, 1:2]
    z = ca[:, 2:3]
    r = jnp.sqrt(x * x + y * y + z * z)
    u = z / r
    bad = jnp.logical_not(jnp.abs(u) <= 1.0)
    rho = jnp.sqrt(x * x + y * y)
    cphi = jnp.where(rho > 0.0, x / rho, 1.0)
    s = jnp.sqrt(jnp.maximum(1.0 - cphi * cphi, 0.0))
    c1sq = cphi * cphi
    c2 = 2.0 * cphi * cphi - 1.0
    cosm_sq = {1: c1sq, 2: c2 * c2}

    def legendre(l, m):
        if l == 0:
            return jnp.ones_like(cphi)
        if l == 1:
            return {-1: 0.5 * s, 0: cphi, 1: -s}[m]
        return {-2: (1.0 - cphi * cphi) / 8.0,
                -1: 0.5 * cphi * s,
                0: 0.5 * (3.0 * cphi * cphi - 1.0),
                1: -3.0 * cphi * s,
                2: 3.0 * (1.0 - cphi * cphi)}[m]

    sh_cols = []
    for l in range(3):
        coef = jnp.zeros_like(cphi)
        for m in range(-l, l + 1):
            pref = (math.sqrt((2 * l + 1) / (4.0 * math.pi))
                    * math.sqrt(math.factorial(l - m) / math.factorial(l + m)))
            P = legendre(l, m)
            term = (pref ** 4) * P * P
            if m != 0:
                term = term * cosm_sq[abs(m)]
            coef = coef + term
        shl = jnp.sqrt(coef)
        sh_cols.append(jnp.where(bad, 0.0, shl))
    sh_ref[0] = jnp.concatenate(sh_cols, axis=1)


def _split(x):
    hi = x.astype(jnp.bfloat16)
    return hi, (x - hi.astype(jnp.float32)).astype(jnp.bfloat16)


def _edge_body(ei_ref, dn_ref, gbhi_ref, gblo_ref, ga_ref, wp_ref, bp_ref,
               wehi_ref, welo_ref, lg_ref, lb_ref, out_ref):
    L = gbhi_ref.shape[1]
    E = _TILE * _K
    t = pl.program_id(1)

    ei = ei_ref[0]
    dn = dn_ref[0]
    ga = ga_ref[0]

    hdot = functools.partial(jnp.dot, preferred_element_type=jnp.float32,
                             precision=jax.lax.Precision.HIGHEST)
    bdot = functools.partial(jnp.dot, preferred_element_type=jnp.float32,
                             precision=jax.lax.Precision.DEFAULT)

    erow = jax.lax.broadcasted_iota(jnp.int32, (E, 1), 0)
    q = erow // _K
    rmod = erow - q * _K
    Rm = (jax.lax.broadcasted_iota(jnp.int32, (E, _TILE), 1) == q
          ).astype(jnp.float32)
    Cm = (jax.lax.broadcasted_iota(jnp.int32, (E, _K), 1) == rmod
          ).astype(jnp.float32)

    jf = jnp.sum(hdot(Rm, ei.astype(jnp.float32)) * Cm, axis=1, keepdims=True)
    d0 = jnp.sum(hdot(Rm, dn) * Cm, axis=1, keepdims=True)
    ji = jf.astype(jnp.int32)

    oneJ = (jax.lax.broadcasted_iota(jnp.int32, (E, L), 1) == ji
            ).astype(jnp.bfloat16)
    Bbig = (bdot(oneJ, gbhi_ref[0]) + bdot(oneJ, gblo_ref[0]))
    Abig = hdot(Rm, ga)

    df = Abig - Bbig[:, 0:24]
    sq = df * df
    seg = (jax.lax.broadcasted_iota(jnp.int32, (24, 8), 0) // 3
           == jax.lax.broadcasted_iota(jnp.int32, (24, 8), 1)
           ).astype(jnp.bfloat16)
    sqh, sql = _split(sq)
    d8 = jnp.sqrt(bdot(sqh, seg) + bdot(sql, seg) + 1e-6)
    d9 = jnp.concatenate([d0, d8], axis=1)

    spread = (jax.lax.broadcasted_iota(jnp.int32, (9, 9 * _NUM_RBF), 1) // _NUM_RBF
              == jax.lax.broadcasted_iota(jnp.int32, (9, 9 * _NUM_RBF), 0)
              ).astype(jnp.bfloat16)
    d9h, d9l = _split(d9)
    dwide = bdot(d9h, spread) + bdot(d9l, spread)
    mcol = jax.lax.broadcasted_iota(jnp.int32, (1, 9 * _NUM_RBF), 1)
    mu144 = 2.0 + (mcol - _NUM_RBF * (mcol // _NUM_RBF)
                   ).astype(jnp.float32) * (20.0 / 15.0)
    rbf = jnp.exp(-(((dwide - mu144) / 1.25) ** 2))

    gi = t * _TILE + q
    d_pos = jnp.clip(gi - ji + _MAXREL, 0, 2 * _MAXREL)
    oneP = (jax.lax.broadcasted_iota(jnp.int32, (E, 2 * _MAXREL + 2), 1) == d_pos
            ).astype(jnp.float32)
    Epos = hdot(oneP, wp_ref[...]) + bp_ref[...]

    Ecat = jnp.concatenate([Epos, rbf, Bbig[:, 24:27]], axis=1)
    Ech, Ecl = _split(Ecat)
    Eemb = (bdot(Ech, wehi_ref[...])
            + (bdot(Ech, welo_ref[...]) + bdot(Ecl, wehi_ref[...])))
    mu_ln = jnp.mean(Eemb, axis=1, keepdims=True)
    xc = Eemb - mu_ln
    var = jnp.mean(xc * xc, axis=1, keepdims=True)
    out_ref[0] = xc / jnp.sqrt(var + 1e-5) * lg_ref[...] + lb_ref[...]


def kernel(Ca, mask, residue_idx, chain_labels, W_pos, b_pos, W_edge, ln_g, ln_b):
    B, L, _ = Ca.shape
    K = _K
    NT = L // _TILE

    CaT = jnp.swapaxes(Ca, 1, 2)
    dn, ei, sh = pl.pallas_call(
        _dist_topk_sh_body,
        grid=(B,),
        in_specs=[
            pl.BlockSpec((1, L, 3), lambda b: (b, 0, 0)),
            pl.BlockSpec((1, 3, L), lambda b: (b, 0, 0)),
        ],
        out_specs=[
            pl.BlockSpec((1, L, K), lambda b: (b, 0, 0)),
            pl.BlockSpec((1, L, K), lambda b: (b, 0, 0)),
            pl.BlockSpec((1, L, 3), lambda b: (b, 0, 0)),
        ],
        out_shape=[
            jax.ShapeDtypeStruct((B, L, K), jnp.float32),
            jax.ShapeDtypeStruct((B, L, K), jnp.int32),
            jax.ShapeDtypeStruct((B, L, 3), jnp.float32),
        ],
    )(Ca, CaT)

    zrow = jnp.zeros((B, 1, 3), jnp.float32)
    shifts = {
        0: jnp.concatenate([zrow, Ca[:, :-1, :]], axis=1),
        1: Ca,
        2: jnp.concatenate([Ca[:, 1:, :], zrow], axis=1),
    }
    GA = jnp.concatenate([shifts[p] for p, _ in _PAIRS], axis=2)
    GB = jnp.concatenate([shifts[qq] for _, qq in _PAIRS]
                         + [sh, jnp.zeros((B, L, 5), jnp.float32)], axis=2)
    GBhi = GB.astype(jnp.bfloat16)
    GBlo = (GB - GBhi.astype(jnp.float32)).astype(jnp.bfloat16)

    wpT = W_pos.T
    weT = W_edge.T
    weThi = weT.astype(jnp.bfloat16)
    weTlo = (weT - weThi.astype(jnp.float32)).astype(jnp.bfloat16)
    bp2 = b_pos[None, :]
    lg2 = ln_g[None, :]
    lb2 = ln_b[None, :]

    E = _TILE * K
    eflat = pl.pallas_call(
        _edge_body,
        grid=(B, NT),
        in_specs=[
            pl.BlockSpec((1, _TILE, K), lambda b, t: (b, t, 0)),
            pl.BlockSpec((1, _TILE, K), lambda b, t: (b, t, 0)),
            pl.BlockSpec((1, L, 32), lambda b, t: (b, 0, 0)),
            pl.BlockSpec((1, L, 32), lambda b, t: (b, 0, 0)),
            pl.BlockSpec((1, _TILE, 24), lambda b, t: (b, t, 0)),
            pl.BlockSpec((2 * _MAXREL + 2, 16), lambda b, t: (0, 0)),
            pl.BlockSpec((1, 16), lambda b, t: (0, 0)),
            pl.BlockSpec((163, 128), lambda b, t: (0, 0)),
            pl.BlockSpec((163, 128), lambda b, t: (0, 0)),
            pl.BlockSpec((1, 128), lambda b, t: (0, 0)),
            pl.BlockSpec((1, 128), lambda b, t: (0, 0)),
        ],
        out_specs=pl.BlockSpec((1, E, 128), lambda b, t: (b, t, 0)),
        out_shape=jax.ShapeDtypeStruct((B, L * K, 128), jnp.float32),
    )(ei, dn, GBhi, GBlo, GA, wpT, bp2, weThi, weTlo, lg2, lb2)

    return eflat.reshape(B, L, K, 128), ei

# --- scband reference (transcript-rebuilt; emitter-appended) ---
"""Pipeline reference for scband-ca-sh-protein-features-3607772528735 (READ-ONLY COPY).

The authoritative reference and input builder live on the scoring server;
editing this copy changes nothing except your own understanding.
"""

import jax, jax.numpy as jnp
import numpy as np
import math

B, L, TOP_K = 8, 512, 30
NUM_RBF = 16
NUM_POS = 16
EDGE_FEATURES = 128
MAXREL = 32
EDGE_IN = NUM_POS + NUM_RBF * 9 + 3


def _gather_edges(edges, idx):
    bidx = jnp.broadcast_to(idx[..., None], idx.shape + (edges.shape[-1],))
    return jnp.take_along_axis(edges, bidx, axis=2)


def _gather_nodes(nodes, idx):
    b, l, k = idx.shape
    flat = idx.reshape(b, l * k)
    bflat = jnp.broadcast_to(flat[:, :, None], (b, l * k, nodes.shape[-1]))
    g = jnp.take_along_axis(nodes, bflat, axis=1)
    return g.reshape(b, l, k, nodes.shape[-1])


def _legendre(l, m, x):
    s = jnp.sqrt(jnp.maximum(1.0 - x * x, 0.0))
    if l == 0:
        return jnp.ones_like(x)
    if l == 1:
        if m == -1:
            return 0.5 * s
        if m == 0:
            return x
        if m == 1:
            return -s
    if l == 2:
        if m == -2:
            return (1.0 - x * x) / 8.0
        if m == -1:
            return 0.5 * x * s
        if m == 0:
            return 0.5 * (3.0 * x * x - 1.0)
        if m == 1:
            return -3.0 * x * s
        if m == 2:
            return 3.0 * (1.0 - x * x)
    raise ValueError('unsupported l,m')


def _sh_features(Ca, l_max=2):
    b, l_dim, _ = Ca.shape
    n = b * l_dim
    r = jnp.linalg.norm(Ca, axis=2).reshape(n)
    theta = jnp.arccos(Ca[:, :, 2].reshape(n) / r)
    phi = jnp.arctan2(Ca[:, :, 1].reshape(n), Ca[:, :, 0].reshape(n))
    cosphi = jnp.cos(phi)
    coefs = []
    for l in range(l_max + 1):
        acc = jnp.zeros(n, dtype=jnp.float32)
        for m in range(-l, l + 1):
            # scipy sph_harm(m, l, theta, phi) = N * exp(i m theta) * P_l^m(cos(phi))
            pref = math.sqrt((2 * l + 1) / (4 * math.pi)) * math.sqrt(math.factorial(l - m) / math.factorial(l + m))
            P = _legendre(l, m, cosphi)
            hr = pref * P * jnp.cos(m * theta)
            hi = pref * P * jnp.sin(m * theta)
            # module unconditionally overrides: result = prefactor * cos(m*phi) * harmonic
            cr = pref * jnp.cos(m * phi) * hr
            ci = pref * jnp.cos(m * phi) * hi
            acc = acc + cr * cr + ci * ci
        coefs.append(acc)
    l2 = jnp.sqrt(jnp.stack(coefs, axis=-1)).reshape(b, l_dim, l_max + 1)
    return l2


def _dist(X, mask, top_k):
    mask2 = mask[:, None, :] * mask[:, :, None]
    dX = X[:, None, :, :] - X[:, :, None, :]
    D = mask2 * jnp.sqrt(jnp.sum(dX ** 2, axis=3) + 1e-6)
    D_max = jnp.max(D, axis=-1, keepdims=True)
    D_adj = D + (1.0 - mask2) * D_max
    neg_vals, E_idx = jax.lax.top_k(-D_adj, top_k)
    return -neg_vals, E_idx


def _rbf(D):
    D_mu = jnp.linspace(2.0, 22.0, NUM_RBF).reshape(1, 1, 1, -1)
    D_sigma = (22.0 - 2.0) / NUM_RBF
    return jnp.exp(-(((D[..., None] - D_mu) / D_sigma) ** 2))


def _get_rbf(A, Bv, E_idx):
    D_A_B = jnp.sqrt(jnp.sum((A[:, :, None, :] - Bv[:, None, :, :]) ** 2, axis=-1) + 1e-6)
    D_nb = _gather_edges(D_A_B[:, :, :, None], E_idx)[:, :, :, 0]
    return _rbf(D_nb)


def setup_inputs(seed: int = 0) -> dict:
    key = jax.random.key(seed)
    k1, k2, k3 = jax.random.split(key, 3)
    Ca = jax.random.normal(k1, (B, L, 3), dtype=jnp.float32)
    mask = jnp.ones((B, L), dtype=jnp.float32)
    residue_idx = jnp.arange(B * L, dtype=jnp.int32).reshape(B, L)
    chain_labels = jnp.zeros((B, L), dtype=jnp.int32)
    W_pos = jax.random.normal(k2, (NUM_POS, 2 * MAXREL + 2), dtype=jnp.float32) * 0.05
    b_pos = jnp.zeros((NUM_POS,), dtype=jnp.float32)
    W_edge = jax.random.normal(k3, (EDGE_FEATURES, EDGE_IN), dtype=jnp.float32) * 0.05
    ln_g = jnp.ones((EDGE_FEATURES,), dtype=jnp.float32)
    ln_b = jnp.zeros((EDGE_FEATURES,), dtype=jnp.float32)
    return {"Ca": Ca, "mask": mask, "residue_idx": residue_idx, "chain_labels": chain_labels,
            "W_pos": W_pos, "b_pos": b_pos, "W_edge": W_edge, "ln_g": ln_g, "ln_b": ln_b}


def reference(Ca, mask, residue_idx, chain_labels, W_pos, b_pos, W_edge, ln_g, ln_b):
    D_neighbors, E_idx = _dist(Ca, mask, TOP_K)
    Ca_0 = jnp.zeros_like(Ca).at[:, 1:, :].set(Ca[:, :-1, :])
    Ca_1 = Ca
    Ca_2 = jnp.zeros_like(Ca).at[:, :-1, :].set(Ca[:, 1:, :])
    rbf_list = [_rbf(D_neighbors)]
    for A, Bv in [(Ca_0, Ca_0), (Ca_2, Ca_2), (Ca_0, Ca_1), (Ca_0, Ca_2),
                  (Ca_1, Ca_0), (Ca_1, Ca_2), (Ca_2, Ca_0), (Ca_2, Ca_1)]:
        rbf_list.append(_get_rbf(A, Bv, E_idx))
    RBF_all = jnp.concatenate(rbf_list, axis=-1)
    SH = _sh_features(Ca, 2)
    SH = jnp.where(jnp.isnan(SH), 0.0, SH)
    SH_neighbors = _gather_nodes(SH, E_idx)
    offset = residue_idx[:, :, None] - residue_idx[:, None, :]
    offset = _gather_edges(offset[:, :, :, None], E_idx)[:, :, :, 0]
    d_chains = (chain_labels[:, :, None] - chain_labels[:, None, :] == 0).astype(jnp.int32)
    E_chains = _gather_edges(d_chains[:, :, :, None], E_idx)[:, :, :, 0]
    d = jnp.clip(offset + MAXREL, 0, 2 * MAXREL) * E_chains + (1 - E_chains) * (2 * MAXREL + 1)
    d_onehot = jax.nn.one_hot(d, 2 * MAXREL + 2, dtype=jnp.float32)
    E_positional = d_onehot @ W_pos.T + b_pos
    Ecat = jnp.concatenate([E_positional, RBF_all, SH_neighbors], axis=-1)
    Eemb = Ecat @ W_edge.T
    mu = jnp.mean(Eemb, axis=-1, keepdims=True)
    var = jnp.var(Eemb, axis=-1, keepdims=True)
    Enorm = (Eemb - mu) / jnp.sqrt(var + 1e-5) * ln_g + ln_b
    return Enorm, E_idx

if __name__ == "__main__":
    import jax
    _d = setup_inputs()
    print(jax.jit(kernel)(*tuple(_d.values())))

</pallas_src>

<mosaic_0001>
module attributes {stable_mosaic.version = 14 : i64} {
  func.func @_dist_topk_sh_body(%arg0: i32, %arg1: memref<1x512x3xf32, #tpu.memory_space<vmem>>, %arg2: memref<1x3x512xf32, #tpu.memory_space<vmem>>, %arg3: memref<1x512x30xf32, #tpu.memory_space<vmem>>, %arg4: memref<1x512x30xi32, #tpu.memory_space<vmem>>, %arg5: memref<1x512x3xf32, #tpu.memory_space<vmem>>) attributes {dimension_semantics = [#tpu.dimension_semantics<arbitrary>], iteration_bounds = array<i64: 8>, scalar_prefetch = 0 : i64, scratch_operands = 0 : i64, tpu.core_type = #tpu.core_type<tc>, window_params = [{transform_indices = @transform_0, window_bounds = array<i64: 1, 512, 3>}, {transform_indices = @transform_1, window_bounds = array<i64: 1, 3, 512>}, {transform_indices = @transform_2, window_bounds = array<i64: 1, 512, 30>}, {transform_indices = @transform_3, window_bounds = array<i64: 1, 512, 30>}, {transform_indices = @transform_4, window_bounds = array<i64: 1, 512, 3>}]} {
    %get3A = arith.constant 0 : index
    %get3A_0 = arith.constant 0 : index
    %get3A_1 = arith.constant 0 : index
    %get3A_2 = vector.load %arg1[%get3A, %get3A_0, %get3A_1] : memref<1x512x3xf32, #tpu.memory_space<vmem>>, vector<1x512x3xf32>
    %get3A_3 = vector.shape_cast %get3A_2 : vector<1x512x3xf32> to vector<512x3xf32>
    %get3A_4 = arith.constant 0 : index
    %get3A_5 = arith.constant 0 : index
    %get3A_6 = arith.constant 0 : index
    %get3A_7 = vector.load %arg2[%get3A_4, %get3A_5, %get3A_6] : memref<1x3x512xf32, #tpu.memory_space<vmem>>, vector<1x3x512xf32>
    %get3A_8 = vector.shape_cast %get3A_7 : vector<1x3x512xf32> to vector<3x512xf32>
    %slice3A = vector.extract_strided_slice %get3A_3 {offsets = [0, 0], sizes = [512, 1], strides = [1, 1]} : vector<512x3xf32> to vector<512x1xf32>
    %slice3A_9 = vector.extract_strided_slice %get3A_8 {offsets = [0, 0], sizes = [1, 512], strides = [1, 1]} : vector<3x512xf32> to vector<1x512xf32>
    %sub3A = vector.broadcast %slice3A : vector<512x1xf32> to vector<512x512xf32>
    %sub3A_10 = vector.broadcast %slice3A_9 : vector<1x512xf32> to vector<512x512xf32>
    %sub3A_11 = arith.subf %sub3A, %sub3A_10 : vector<512x512xf32>
    %mul3A = arith.mulf %sub3A_11, %sub3A_11 : vector<512x512xf32>
    %slice3A_12 = vector.extract_strided_slice %get3A_3 {offsets = [0, 1], sizes = [512, 1], strides = [1, 1]} : vector<512x3xf32> to vector<512x1xf32>
    %slice3A_13 = vector.extract_strided_slice %get3A_8 {offsets = [1, 0], sizes = [1, 512], strides = [1, 1]} : vector<3x512xf32> to vector<1x512xf32>
    %sub3A_14 = vector.broadcast %slice3A_12 : vector<512x1xf32> to vector<512x512xf32>
    %sub3A_15 = vector.broadcast %slice3A_13 : vector<1x512xf32> to vector<512x512xf32>
    %sub3A_16 = arith.subf %sub3A_14, %sub3A_15 : vector<512x512xf32>
    %mul3A_17 = arith.mulf %sub3A_16, %sub3A_16 : vector<512x512xf32>
    %add3A = arith.addf %mul3A, %mul3A_17 : vector<512x512xf32>
    %slice3A_18 = vector.extract_strided_slice %get3A_3 {offsets = [0, 2], sizes = [512, 1], strides = [1, 1]} : vector<512x3xf32> to vector<512x1xf32>
    %slice3A_19 = vector.extract_strided_slice %get3A_8 {offsets = [2, 0], sizes = [1, 512], strides = [1, 1]} : vector<3x512xf32> to vector<1x512xf32>
    %sub3A_20 = vector.broadcast %slice3A_18 : vector<512x1xf32> to vector<512x512xf32>
    %sub3A_21 = vector.broadcast %slice3A_19 : vector<1x512xf32> to vector<512x512xf32>
    %sub3A_22 = arith.subf %sub3A_20, %sub3A_21 : vector<512x512xf32>
    %mul3A_23 = arith.mulf %sub3A_22, %sub3A_22 : vector<512x512xf32>
    %add3A_24 = arith.addf %add3A, %mul3A_23 : vector<512x512xf32>
    %add3A_25 = arith.constant 9.99999997E-7 : f32
    %add3A_26 = vector.broadcast %add3A_25 : f32 to vector<512x512xf32>
    %add3A_27 = arith.addf %add3A_24, %add3A_26 : vector<512x512xf32>
    %sqrt3A = math.sqrt %add3A_27 : vector<512x512xf32>
    %iota3A = tpu.iota {dimensions = array<i32: 1>} : vector<512x512xi32>
    %reduce_min3A = arith.constant dense<0x7F800000> : vector<512xf32>
    %reduce_min3A_28 = vector.multi_reduction <minimumf>, %sqrt3A, %reduce_min3A [1] : vector<512x512xf32> to vector<512xf32>
    %broadcast_in_dim3A = vector.shape_cast %reduce_min3A_28 : vector<512xf32> to vector<512x1xf32>
    %eq3A = vector.broadcast %broadcast_in_dim3A : vector<512x1xf32> to vector<512x512xf32>
    %eq3A_29 = arith.cmpf oeq, %sqrt3A, %eq3A : vector<512x512xf32>
    %jit3A = arith.constant 512 : i32
    %broadcast_in_dim3A_30 = vector.broadcast %jit3A : i32 to vector<512x512xi32>
    %select_n3A = arith.select %eq3A_29, %iota3A, %broadcast_in_dim3A_30 : vector<512x512xi1>, vector<512x512xi32>
    %reduce_min3A_31 = arith.constant dense<2147483647> : vector<512xi32>
    %reduce_min3A_32 = vector.multi_reduction <minsi>, %select_n3A, %reduce_min3A_31 [1] : vector<512x512xi32> to vector<512xi32>
    %broadcast_in_dim3A_33 = vector.shape_cast %reduce_min3A_32 : vector<512xi32> to vector<512x1xi32>
    %eq3A_34 = vector.broadcast %broadcast_in_dim3A_33 : vector<512x1xi32> to vector<512x512xi32>
    %eq3A_35 = arith.cmpi eq, %iota3A, %eq3A_34 : vector<512x512xi32>
    %jit3A_36 = arith.constant 0x7F800000 : f32
    %broadcast_in_dim3A_37 = vector.broadcast %jit3A_36 : f32 to vector<512x512xf32>
    %select_n3A_38 = arith.select %eq3A_35, %broadcast_in_dim3A_37, %sqrt3A : vector<512x512xi1>, vector<512x512xf32>
    %reduce_min3A_39 = arith.constant dense<0x7F800000> : vector<512xf32>
    %reduce_min3A_40 = vector.multi_reduction <minimumf>, %select_n3A_38, %reduce_min3A_39 [1] : vector<512x512xf32> to vector<512xf32>
    %broadcast_in_dim3A_41 = vector.shape_cast %reduce_min3A_40 : vector<512xf32> to vector<512x1xf32>
    %eq3A_42 = vector.broadcast %broadcast_in_dim3A_41 : vector<512x1xf32> to vector<512x512xf32>
    %eq3A_43 = arith.cmpf oeq, %select_n3A_38, %eq3A_42 : vector<512x512xf32>
    %jit3A_44 = arith.constant 512 : i32
    %broadcast_in_dim3A_45 = vector.broadcast %jit3A_44 : i32 to vector<512x512xi32>
    %select_n3A_46 = arith.select %eq3A_43, %iota3A, %broadcast_in_dim3A_45 : vector<512x512xi1>, vector<512x512xi32>
    %reduce_min3A_47 = arith.constant dense<2147483647> : vector<512xi32>
    %reduce_min3A_48 = vector.multi_reduction <minsi>, %select_n3A_46, %reduce_min3A_47 [1] : vector<512x512xi32> to vector<512xi32>
    %broadcast_in_dim3A_49 = vector.shape_cast %reduce_min3A_48 : vector<512xi32> to vector<512x1xi32>
    %eq3A_50 = vector.broadcast %broadcast_in_dim3A_49 : vector<512x1xi32> to vector<512x512xi32>
    %eq3A_51 = arith.cmpi eq, %iota3A, %eq3A_50 : vector<512x512xi32>
    %jit3A_52 = arith.constant 0x7F800000 : f32
    %broadcast_in_dim3A_53 = vector.broadcast %jit3A_52 : f32 to vector<512x512xf32>
    %select_n3A_54 = arith.select %eq3A_51, %broadcast_in_dim3A_53, %select_n3A_38 : vector<512x512xi1>, vector<512x512xf32>
    %reduce_min3A_55 = arith.constant dense<0x7F800000> : vector<512xf32>
    %reduce_min3A_56 = vector.multi_reduction <minimumf>, %select_n3A_54, %reduce_min3A_55 [1] : vector<512x512xf32> to vector<512xf32>
    %broadcast_in_dim3A_57 = vector.shape_cast %reduce_min3A_56 : vector<512xf32> to vector<512x1xf32>
    %eq3A_58 = vector.broadcast %broadcast_in_dim3A_57 : vector<512x1xf32> to vector<512x512xf32>
    %eq3A_59 = arith.cmpf oeq, %select_n3A_54, %eq3A_58 : vector<512x512xf32>
    %jit3A_60 = arith.constant 512 : i32
    %broadcast_in_dim3A_61 = vector.broadcast %jit3A_60 : i32 to vector<512x512xi32>
    %select_n3A_62 = arith.select %eq3A_59, %iota3A, %broadcast_in_dim3A_61 : vector<512x512xi1>, vector<512x512xi32>
    %reduce_min3A_63 = arith.constant dense<2147483647> : vector<512xi32>
    %reduce_min3A_64 = vector.multi_reduction <minsi>, %select_n3A_62, %reduce_min3A_63 [1] : vector<512x512xi32> to vector<512xi32>
    %broadcast_in_dim3A_65 = vector.shape_cast %reduce_min3A_64 : vector<512xi32> to vector<512x1xi32>
    %eq3A_66 = vector.broadcast %broadcast_in_dim3A_65 : vector<512x1xi32> to vector<512x512xi32>
    %eq3A_67 = arith.cmpi eq, %iota3A, %eq3A_66 : vector<512x512xi32>
    %jit3A_68 = arith.constant 0x7F800000 : f32
    %broadcast_in_dim3A_69 = vector.broadcast %jit3A_68 : f32 to vector<512x512xf32>
    %select_n3A_70 = arith.select %eq3A_67, %broadcast_in_dim3A_69, %select_n3A_54 : vector<512x512xi1>, vector<512x512xf32>
    %reduce_min3A_71 = arith.constant dense<0x7F800000> : vector<512xf32>
    %reduce_min3A_72 = vector.multi_reduction <minimumf>, %select_n3A_70, %reduce_min3A_71 [1] : vector<512x512xf32> to vector<512xf32>
    %broadcast_in_dim3A_73 = vector.shape_cast %reduce_min3A_72 : vector<512xf32> to vector<512x1xf32>
    %eq3A_74 = vector.broadcast %broadcast_in_dim3A_73 : vector<512x1xf32> to vector<512x512xf32>
    %eq3A_75 = arith.cmpf oeq, %select_n3A_70, %eq3A_74 : vector<512x512xf32>
    %jit3A_76 = arith.constant 512 : i32
    %broadcast_in_dim3A_77 = vector.broadcast %jit3A_76 : i32 to vector<512x512xi32>
    %select_n3A_78 = arith.select %eq3A_75, %iota3A, %broadcast_in_dim3A_77 : vector<512x512xi1>, vector<512x512xi32>
    %reduce_min3A_79 = arith.constant dense<2147483647> : vector<512xi32>
    %reduce_min3A_80 = vector.multi_reduction <minsi>, %select_n3A_78, %reduce_min3A_79 [1] : vector<512x512xi32> to vector<512xi32>
    %broadcast_in_dim3A_81 = vector.shape_cast %reduce_min3A_80 : vector<512xi32> to vector<512x1xi32>
    %eq3A_82 = vector.broadcast %broadcast_in_dim3A_81 : vector<512x1xi32> to vector<512x512xi32>
    %eq3A_83 = arith.cmpi eq, %iota3A, %eq3A_82 : vector<512x512xi32>
    %jit3A_84 = arith.constant 0x7F800000 : f32
    %broadcast_in_dim3A_85 = vector.broadcast %jit3A_84 : f32 to vector<512x512xf32>
    %select_n3A_86 = arith.select %eq3A_83, %broadcast_in_dim3A_85, %select_n3A_70 : vector<512x512xi1>, vector<512x512xf32>
    %reduce_min3A_87 = arith.constant dense<0x7F800000> : vector<512xf32>
    %reduce_min3A_88 = vector.multi_reduction <minimumf>, %select_n3A_86, %reduce_min3A_87 [1] : vector<512x512xf32> to vector<512xf32>
    %broadcast_in_dim3A_89 = vector.shape_cast %reduce_min3A_88 : vector<512xf32> to vector<512x1xf32>
    %eq3A_90 = vector.broadcast %broadcast_in_dim3A_89 : vector<512x1xf32> to vector<512x512xf32>
    %eq3A_91 = arith.cmpf oeq, %select_n3A_86, %eq3A_90 : vector<512x512xf32>
    %jit3A_92 = arith.constant 512 : i32
    %broadcast_in_dim3A_93 = vector.broadcast %jit3A_92 : i32 to vector<512x512xi32>
    %select_n3A_94 = arith.select %eq3A_91, %iota3A, %broadcast_in_dim3A_93 : vector<512x512xi1>, vector<512x512xi32>
    %reduce_min3A_95 = arith.constant dense<2147483647> : vector<512xi32>
    %reduce_min3A_96 = vector.multi_reduction <minsi>, %select_n3A_94, %reduce_min3A_95 [1] : vector<512x512xi32> to vector<512xi32>
    %broadcast_in_dim3A_97 = vector.shape_cast %reduce_min3A_96 : vector<512xi32> to vector<512x1xi32>
    %eq3A_98 = vector.broadcast %broadcast_in_dim3A_97 : vector<512x1xi32> to vector<512x512xi32>
    %eq3A_99 = arith.cmpi eq, %iota3A, %eq3A_98 : vector<512x512xi32>
    %jit3A_100 = arith.constant 0x7F800000 : f32
    %broadcast_in_dim3A_101 = vector.broadcast %jit3A_100 : f32 to vector<512x512xf32>
    %select_n3A_102 = arith.select %eq3A_99, %broadcast_in_dim3A_101, %select_n3A_86 : vector<512x512xi1>, vector<512x512xf32>
    %reduce_min3A_103 = arith.constant dense<0x7F800000> : vector<512xf32>
    %reduce_min3A_104 = vector.multi_reduction <minimumf>, %select_n3A_102, %reduce_min3A_103 [1] : vector<512x512xf32> to vector<512xf32>
    %broadcast_in_dim3A_105 = vector.shape_cast %reduce_min3A_104 : vector<512xf32> to vector<512x1xf32>
    %eq3A_106 = vector.broadcast %broadcast_in_dim3A_105 : vector<512x1xf32> to vector<512x512xf32>
    %eq3A_107 = arith.cmpf oeq, %select_n3A_102, %eq3A_106 : vector<512x512xf32>
    %jit3A_108 = arith.constant 512 : i32
    %broadcast_in_dim3A_109 = vector.broadcast %jit3A_108 : i32 to vector<512x512xi32>
    %select_n3A_110 = arith.select %eq3A_107, %iota3A, %broadcast_in_dim3A_109 : vector<512x512xi1>, vector<512x512xi32>
    %reduce_min3A_111 = arith.constant dense<2147483647> : vector<512xi32>
    %reduce_min3A_112 = vector.multi_reduction <minsi>, %select_n3A_110, %reduce_min3A_111 [1] : vector<512x512xi32> to vector<512xi32>
    %broadcast_in_dim3A_113 = vector.shape_cast %reduce_min3A_112 : vector<512xi32> to vector<512x1xi32>
    %eq3A_114 = vector.broadcast %broadcast_in_dim3A_113 : vector<512x1xi32> to vector<512x512xi32>
    %eq3A_115 = arith.cmpi eq, %iota3A, %eq3A_114 : vector<512x512xi32>
    %jit3A_116 = arith.constant 0x7F800000 : f32
    %broadcast_in_dim3A_117 = vector.broadcast %jit3A_116 : f32 to vector<512x512xf32>
    %select_n3A_118 = arith.select %eq3A_115, %broadcast_in_dim3A_117, %select_n3A_102 : vector<512x512xi1>, vector<512x512xf32>
    %reduce_min3A_119 = arith.constant dense<0x7F800000> : vector<512xf32>
    %reduce_min3A_120 = vector.multi_reduction <minimumf>, %select_n3A_118, %reduce_min3A_119 [1] : vector<512x512xf32> to vector<512xf32>
    %broadcast_in_dim3A_121 = vector.shape_cast %reduce_min3A_120 : vector<512xf32> to vector<512x1xf32>
    %eq3A_122 = vector.broadcast %broadcast_in_dim3A_121 : vector<512x1xf32> to vector<512x512xf32>
    %eq3A_123 = arith.cmpf oeq, %select_n3A_118, %eq3A_122 : vector<512x512xf32>
    %jit3A_124 = arith.constant 512 : i32
    %broadcast_in_dim3A_125 = vector.broadcast %jit3A_124 : i32 to vector<512x512xi32>
    %select_n3A_126 = arith.select %eq3A_123, %iota3A, %broadcast_in_dim3A_125 : vector<512x512xi1>, vector<512x512xi32>
    %reduce_min3A_127 = arith.constant dense<2147483647> : vector<512xi32>
    %reduce_min3A_128 = vector.multi_reduction <minsi>, %select_n3A_126, %reduce_min3A_127 [1] : vector<512x512xi32> to vector<512xi32>
    %broadcast_in_dim3A_129 = vector.shape_cast %reduce_min3A_128 : vector<512xi32> to vector<512x1xi32>
    %eq3A_130 = vector.broadcast %broadcast_in_dim3A_129 : vector<512x1xi32> to vector<512x512xi32>
    %eq3A_131 = arith.cmpi eq, %iota3A, %eq3A_130 : vector<512x512xi32>
    %jit3A_132 = arith.constant 0x7F800000 : f32
    %broadcast_in_dim3A_133 = vector.broadcast %jit3A_132 : f32 to vector<512x512xf32>
    %select_n3A_134 = arith.select %eq3A_131, %broadcast_in_dim3A_133, %select_n3A_118 : vector<512x512xi1>, vector<512x512xf32>
    %reduce_min3A_135 = arith.constant dense<0x7F800000> : vector<512xf32>
    %reduce_min3A_136 = vector.multi_reduction <minimumf>, %select_n3A_134, %reduce_min3A_135 [1] : vector<512x512xf32> to vector<512xf32>
    %broadcast_in_dim3A_137 = vector.shape_cast %reduce_min3A_136 : vector<512xf32> to vector<512x1xf32>
    %eq3A_138 = vector.broadcast %broadcast_in_dim3A_137 : vector<512x1xf32> to vector<512x512xf32>
    %eq3A_139 = arith.cmpf oeq, %select_n3A_134, %eq3A_138 : vector<512x512xf32>
    %jit3A_140 = arith.constant 512 : i32
    %broadcast_in_dim3A_141 = vector.broadcast %jit3A_140 : i32 to vector<512x512xi32>
    %select_n3A_142 = arith.select %eq3A_139, %iota3A, %broadcast_in_dim3A_141 : vector<512x512xi1>, vector<512x512xi32>
    %reduce_min3A_143 = arith.constant dense<2147483647> : vector<512xi32>
    %reduce_min3A_144 = vector.multi_reduction <minsi>, %select_n3A_142, %reduce_min3A_143 [1] : vector<512x512xi32> to vector<512xi32>
    %broadcast_in_dim3A_145 = vector.shape_cast %reduce_min3A_144 : vector<512xi32> to vector<512x1xi32>
    %eq3A_146 = vector.broadcast %broadcast_in_dim3A_145 : vector<512x1xi32> to vector<512x512xi32>
    %eq3A_147 = arith.cmpi eq, %iota3A, %eq3A_146 : vector<512x512xi32>
    %jit3A_148 = arith.constant 0x7F800000 : f32
    %broadcast_in_dim3A_149 = vector.broadcast %jit3A_148 : f32 to vector<512x512xf32>
    %select_n3A_150 = arith.select %eq3A_147, %broadcast_in_dim3A_149, %select_n3A_134 : vector<512x512xi1>, vector<512x512xf32>
    %reduce_min3A_151 = arith.constant dense<0x7F800000> : vector<512xf32>
    %reduce_min3A_152 = vector.multi_reduction <minimumf>, %select_n3A_150, %reduce_min3A_151 [1] : vector<512x512xf32> to vector<512xf32>
    %broadcast_in_dim3A_153 = vector.shape_cast %reduce_min3A_152 : vector<512xf32> to vector<512x1xf32>
    %eq3A_154 = vector.broadcast %broadcast_in_dim3A_153 : vector<512x1xf32> to vector<512x512xf32>
    %eq3A_155 = arith.cmpf oeq, %select_n3A_150, %eq3A_154 : vector<512x512xf32>
    %jit3A_156 = arith.constant 512 : i32
    %broadcast_in_dim3A_157 = vector.broadcast %jit3A_156 : i32 to vector<512x512xi32>
    %select_n3A_158 = arith.select %eq3A_155, %iota3A, %broadcast_in_dim3A_157 : vector<512x512xi1>, vector<512x512xi32>
    %reduce_min3A_159 = arith.constant dense<2147483647> : vector<512xi32>
    %reduce_min3A_160 = vector.multi_reduction <minsi>, %select_n3A_158, %reduce_min3A_159 [1] : vector<512x512xi32> to vector<512xi32>
    %broadcast_in_dim3A_161 = vector.shape_cast %reduce_min3A_160 : vector<512xi32> to vector<512x1xi32>
    %eq3A_162 = vector.broadcast %broadcast_in_dim3A_161 : vector<512x1xi32> to vector<512x512xi32>
    %eq3A_163 = arith.cmpi eq, %iota3A, %eq3A_162 : vector<512x512xi32>
    %jit3A_164 = arith.constant 0x7F800000 : f32
    %broadcast_in_dim3A_165 = vector.broadcast %jit3A_164 : f32 to vector<512x512xf32>
    %select_n3A_166 = arith.select %eq3A_163, %broadcast_in_dim3A_165, %select_n3A_150 : vector<512x512xi1>, vector<512x512xf32>
    %reduce_min3A_167 = arith.constant dense<0x7F800000> : vector<512xf32>
    %reduce_min3A_168 = vector.multi_reduction <minimumf>, %select_n3A_166, %reduce_min3A_167 [1] : vector<512x512xf32> to vector<512xf32>
    %broadcast_in_dim3A_169 = vector.shape_cast %reduce_min3A_168 : vector<512xf32> to vector<512x1xf32>
    %eq3A_170 = vector.broadcast %broadcast_in_dim3A_169 : vector<512x1xf32> to vector<512x512xf32>
    %eq3A_171 = arith.cmpf oeq, %select_n3A_166, %eq3A_170 : vector<512x512xf32>
    %jit3A_172 = arith.constant 512 : i32
    %broadcast_in_dim3A_173 = vector.broadcast %jit3A_172 : i32 to vector<512x512xi32>
    %select_n3A_174 = arith.select %eq3A_171, %iota3A, %broadcast_in_dim3A_173 : vector<512x512xi1>, vector<512x512xi32>
    %reduce_min3A_175 = arith.constant dense<2147483647> : vector<512xi32>
    %reduce_min3A_176 = vector.multi_reduction <minsi>, %select_n3A_174, %reduce_min3A_175 [1] : vector<512x512xi32> to vector<512xi32>
    %broadcast_in_dim3A_177 = vector.shape_cast %reduce_min3A_176 : vector<512xi32> to vector<512x1xi32>
    %eq3A_178 = vector.broadcast %broadcast_in_dim3A_177 : vector<512x1xi32> to vector<512x512xi32>
    %eq3A_179 = arith.cmpi eq, %iota3A, %eq3A_178 : vector<512x512xi32>
    %jit3A_180 = arith.constant 0x7F800000 : f32
    %broadcast_in_dim3A_181 = vector.broadcast %jit3A_180 : f32 to vector<512x512xf32>
    %select_n3A_182 = arith.select %eq3A_179, %broadcast_in_dim3A_181, %select_n3A_166 : vector<512x512xi1>, vector<512x512xf32>
    %reduce_min3A_183 = arith.constant dense<0x7F800000> : vector<512xf32>
    %reduce_min3A_184 = vector.multi_reduction <minimumf>, %select_n3A_182, %reduce_min3A_183 [1] : vector<512x512xf32> to vector<512xf32>
    %broadcast_in_dim3A_185 = vector.shape_cast %reduce_min3A_184 : vector<512xf32> to vector<512x1xf32>
    %eq3A_186 = vector.broadcast %broadcast_in_dim3A_185 : vector<512x1xf32> to vector<512x512xf32>
    %eq3A_187 = arith.cmpf oeq, %select_n3A_182, %eq3A_186 : vector<512x512xf32>
    %jit3A_188 = arith.constant 512 : i32
    %broadcast_in_dim3A_189 = vector.broadcast %jit3A_188 : i32 to vector<512x512xi32>
    %select_n3A_190 = arith.select %eq3A_187, %iota3A, %broadcast_in_dim3A_189 : vector<512x512xi1>, vector<512x512xi32>
    %reduce_min3A_191 = arith.constant dense<2147483647> : vector<512xi32>
    %reduce_min3A_192 = vector.multi_reduction <minsi>, %select_n3A_190, %reduce_min3A_191 [1] : vector<512x512xi32> to vector<512xi32>
    %broadcast_in_dim3A_193 = vector.shape_cast %reduce_min3A_192 : vector<512xi32> to vector<512x1xi32>
    %eq3A_194 = vector.broadcast %broadcast_in_dim3A_193 : vector<512x1xi32> to vector<512x512xi32>
    %eq3A_195 = arith.cmpi eq, %iota3A, %eq3A_194 : vector<512x512xi32>
    %jit3A_196 = arith.constant 0x7F800000 : f32
    %broadcast_in_dim3A_197 = vector.broadcast %jit3A_196 : f32 to vector<512x512xf32>
    %select_n3A_198 = arith.select %eq3A_195, %broadcast_in_dim3A_197, %select_n3A_182 : vector<512x512xi1>, vector<512x512xf32>
    %reduce_min3A_199 = arith.constant dense<0x7F800000> : vector<512xf32>
    %reduce_min3A_200 = vector.multi_reduction <minimumf>, %select_n3A_198, %reduce_min3A_199 [1] : vector<512x512xf32> to vector<512xf32>
    %broadcast_in_dim3A_201 = vector.shape_cast %reduce_min3A_200 : vector<512xf32> to vector<512x1xf32>
    %eq3A_202 = vector.broadcast %broadcast_in_dim3A_201 : vector<512x1xf32> to vector<512x512xf32>
    %eq3A_203 = arith.cmpf oeq, %select_n3A_198, %eq3A_202 : vector<512x512xf32>
    %jit3A_204 = arith.constant 512 : i32
    %broadcast_in_dim3A_205 = vector.broadcast %jit3A_204 : i32 to vector<512x512xi32>
    %select_n3A_206 = arith.select %eq3A_203, %iota3A, %broadcast_in_dim3A_205 : vector<512x512xi1>, vector<512x512xi32>
    %reduce_min3A_207 = arith.constant dense<2147483647> : vector<512xi32>
    %reduce_min3A_208 = vector.multi_reduction <minsi>, %select_n3A_206, %reduce_min3A_207 [1] : vector<512x512xi32> to vector<512xi32>
    %broadcast_in_dim3A_209 = vector.shape_cast %reduce_min3A_208 : vector<512xi32> to vector<512x1xi32>
    %eq3A_210 = vector.broadcast %broadcast_in_dim3A_209 : vector<512x1xi32> to vector<512x512xi32>
    %eq3A_211 = arith.cmpi eq, %iota3A, %eq3A_210 : vector<512x512xi32>
    %jit3A_212 = arith.constant 0x7F800000 : f32
    %broadcast_in_dim3A_213 = vector.broadcast %jit3A_212 : f32 to vector<512x512xf32>
    %select_n3A_214 = arith.select %eq3A_211, %broadcast_in_dim3A_213, %select_n3A_198 : vector<512x512xi1>, vector<512x512xf32>
    %reduce_min3A_215 = arith.constant dense<0x7F800000> : vector<512xf32>
    %reduce_min3A_216 = vector.multi_reduction <minimumf>, %select_n3A_214, %reduce_min3A_215 [1] : vector<512x512xf32> to vector<512xf32>
    %broadcast_in_dim3A_217 = vector.shape_cast %reduce_min3A_216 : vector<512xf32> to vector<512x1xf32>
    %eq3A_218 = vector.broadcast %broadcast_in_dim3A_217 : vector<512x1xf32> to vector<512x512xf32>
    %eq3A_219 = arith.cmpf oeq, %select_n3A_214, %eq3A_218 : vector<512x512xf32>
    %jit3A_220 = arith.constant 512 : i32
    %broadcast_in_dim3A_221 = vector.broadcast %jit3A_220 : i32 to vector<512x512xi32>
    %select_n3A_222 = arith.select %eq3A_219, %iota3A, %broadcast_in_dim3A_221 : vector<512x512xi1>, vector<512x512xi32>
    %reduce_min3A_223 = arith.constant dense<2147483647> : vector<512xi32>
    %reduce_min3A_224 = vector.multi_reduction <minsi>, %select_n3A_222, %reduce_min3A_223 [1] : vector<512x512xi32> to vector<512xi32>
    %broadcast_in_dim3A_225 = vector.shape_cast %reduce_min3A_224 : vector<512xi32> to vector<512x1xi32>
    %eq3A_226 = vector.broadcast %broadcast_in_dim3A_225 : vector<512x1xi32> to vector<512x512xi32>
    %eq3A_227 = arith.cmpi eq, %iota3A, %eq3A_226 : vector<512x512xi32>
    %jit3A_228 = arith.constant 0x7F800000 : f32
    %broadcast_in_dim3A_229 = vector.broadcast %jit3A_228 : f32 to vector<512x512xf32>
    %select_n3A_230 = arith.select %eq3A_227, %broadcast_in_dim3A_229, %select_n3A_214 : vector<512x512xi1>, vector<512x512xf32>
    %reduce_min3A_231 = arith.constant dense<0x7F800000> : vector<512xf32>
    %reduce_min3A_232 = vector.multi_reduction <minimumf>, %select_n3A_230, %reduce_min3A_231 [1] : vector<512x512xf32> to vector<512xf32>
    %broadcast_in_dim3A_233 = vector.shape_cast %reduce_min3A_232 : vector<512xf32> to vector<512x1xf32>
    %eq3A_234 = vector.broadcast %broadcast_in_dim3A_233 : vector<512x1xf32> to vector<512x512xf32>
    %eq3A_235 = arith.cmpf oeq, %select_n3A_230, %eq3A_234 : vector<512x512xf32>
    %jit3A_236 = arith.constant 512 : i32
    %broadcast_in_dim3A_237 = vector.broadcast %jit3A_236 : i32 to vector<512x512xi32>
    %select_n3A_238 = arith.select %eq3A_235, %iota3A, %broadcast_in_dim3A_237 : vector<512x512xi1>, vector<512x512xi32>
    %reduce_min3A_239 = arith.constant dense<2147483647> : vector<512xi32>
    %reduce_min3A_240 = vector.multi_reduction <minsi>, %select_n3A_238, %reduce_min3A_239 [1] : vector<512x512xi32> to vector<512xi32>
    %broadcast_in_dim3A_241 = vector.shape_cast %reduce_min3A_240 : vector<512xi32> to vector<512x1xi32>
    %eq3A_242 = vector.broadcast %broadcast_in_dim3A_241 : vector<512x1xi32> to vector<512x512xi32>
    %eq3A_243 = arith.cmpi eq, %iota3A, %eq3A_242 : vector<512x512xi32>
    %jit3A_244 = arith.constant 0x7F800000 : f32
    %broadcast_in_dim3A_245 = vector.broadcast %jit3A_244 : f32 to vector<512x512xf32>
    %select_n3A_246 = arith.select %eq3A_243, %broadcast_in_dim3A_245, %select_n3A_230 : vector<512x512xi1>, vector<512x512xf32>
    %reduce_min3A_247 = arith.constant dense<0x7F800000> : vector<512xf32>
    %reduce_min3A_248 = vector.multi_reduction <minimumf>, %select_n3A_246, %reduce_min3A_247 [1] : vector<512x512xf32> to vector<512xf32>
    %broadcast_in_dim3A_249 = vector.shape_cast %reduce_min3A_248 : vector<512xf32> to vector<512x1xf32>
    %eq3A_250 = vector.broadcast %broadcast_in_dim3A_249 : vector<512x1xf32> to vector<512x512xf32>
    %eq3A_251 = arith.cmpf oeq, %select_n3A_246, %eq3A_250 : vector<512x512xf32>
    %jit3A_252 = arith.constant 512 : i32
    %broadcast_in_dim3A_253 = vector.broadcast %jit3A_252 : i32 to vector<512x512xi32>
    %select_n3A_254 = arith.select %eq3A_251, %iota3A, %broadcast_in_dim3A_253 : vector<512x512xi1>, vector<512x512xi32>
    %reduce_min3A_255 = arith.constant dense<2147483647> : vector<512xi32>
    %reduce_min3A_256 = vector.multi_reduction <minsi>, %select_n3A_254, %reduce_min3A_255 [1] : vector<512x512xi32> to vector<512xi32>
    %broadcast_in_dim3A_257 = vector.shape_cast %reduce_min3A_256 : vector<512xi32> to vector<512x1xi32>
    %eq3A_258 = vector.broadcast %broadcast_in_dim3A_257 : vector<512x1xi32> to vector<512x512xi32>
    %eq3A_259 = arith.cmpi eq, %iota3A, %eq3A_258 : vector<512x512xi32>
    %jit3A_260 = arith.constant 0x7F800000 : f32
    %broadcast_in_dim3A_261 = vector.broadcast %jit3A_260 : f32 to vector<512x512xf32>
    %select_n3A_262 = arith.select %eq3A_259, %broadcast_in_dim3A_261, %select_n3A_246 : vector<512x512xi1>, vector<512x512xf32>
    %reduce_min3A_263 = arith.constant dense<0x7F800000> : vector<512xf32>
    %reduce_min3A_264 = vector.multi_reduction <minimumf>, %select_n3A_262, %reduce_min3A_263 [1] : vector<512x512xf32> to vector<512xf32>
    %broadcast_in_dim3A_265 = vector.shape_cast %reduce_min3A_264 : vector<512xf32> to vector<512x1xf32>
    %eq3A_266 = vector.broadcast %broadcast_in_dim3A_265 : vector<512x1xf32> to vector<512x512xf32>
    %eq3A_267 = arith.cmpf oeq, %select_n3A_262, %eq3A_266 : vector<512x512xf32>
    %jit3A_268 = arith.constant 512 : i32
    %broadcast_in_dim3A_269 = vector.broadcast %jit3A_268 : i32 to vector<512x512xi32>
    %select_n3A_270 = arith.select %eq3A_267, %iota3A, %broadcast_in_dim3A_269 : vector<512x512xi1>, vector<512x512xi32>
    %reduce_min3A_271 = arith.constant dense<2147483647> : vector<512xi32>
    %reduce_min3A_272 = vector.multi_reduction <minsi>, %select_n3A_270, %reduce_min3A_271 [1] : vector<512x512xi32> to vector<512xi32>
    %broadcast_in_dim3A_273 = vector.shape_cast %reduce_min3A_272 : vector<512xi32> to vector<512x1xi32>
    %eq3A_274 = vector.broadcast %broadcast_in_dim3A_273 : vector<512x1xi32> to vector<512x512xi32>
    %eq3A_275 = arith.cmpi eq, %iota3A, %eq3A_274 : vector<512x512xi32>
    %jit3A_276 = arith.constant 0x7F800000 : f32
    %broadcast_in_dim3A_277 = vector.broadcast %jit3A_276 : f32 to vector<512x512xf32>
    %select_n3A_278 = arith.select %eq3A_275, %broadcast_in_dim3A_277, %select_n3A_262 : vector<512x512xi1>, vector<512x512xf32>
    %reduce_min3A_279 = arith.constant dense<0x7F800000> : vector<512xf32>
    %reduce_min3A_280 = vector.multi_reduction <minimumf>, %select_n3A_278, %reduce_min3A_279 [1] : vector<512x512xf32> to vector<512xf32>
    %broadcast_in_dim3A_281 = vector.shape_cast %reduce_min3A_280 : vector<512xf32> to vector<512x1xf32>
    %eq3A_282 = vector.broadcast %broadcast_in_dim3A_281 : vector<512x1xf32> to vector<512x512xf32>
    %eq3A_283 = arith.cmpf oeq, %select_n3A_278, %eq3A_282 : vector<512x512xf32>
    %jit3A_284 = arith.constant 512 : i32
    %broadcast_in_dim3A_285 = vector.broadcast %jit3A_284 : i32 to vector<512x512xi32>
    %select_n3A_286 = arith.select %eq3A_283, %iota3A, %broadcast_in_dim3A_285 : vector<512x512xi1>, vector<512x512xi32>
    %reduce_min3A_287 = arith.constant dense<2147483647> : vector<512xi32>
    %reduce_min3A_288 = vector.multi_reduction <minsi>, %select_n3A_286, %reduce_min3A_287 [1] : vector<512x512xi32> to vector<512xi32>
    %broadcast_in_dim3A_289 = vector.shape_cast %reduce_min3A_288 : vector<512xi32> to vector<512x1xi32>
    %eq3A_290 = vector.broadcast %broadcast_in_dim3A_289 : vector<512x1xi32> to vector<512x512xi32>
    %eq3A_291 = arith.cmpi eq, %iota3A, %eq3A_290 : vector<512x512xi32>
    %jit3A_292 = arith.constant 0x7F800000 : f32
    %broadcast_in_dim3A_293 = vector.broadcast %jit3A_292 : f32 to vector<512x512xf32>
    %select_n3A_294 = arith.select %eq3A_291, %broadcast_in_dim3A_293, %select_n3A_278 : vector<512x512xi1>, vector<512x512xf32>
    %reduce_min3A_295 = arith.constant dense<0x7F800000> : vector<512xf32>
    %reduce_min3A_296 = vector.multi_reduction <minimumf>, %select_n3A_294, %reduce_min3A_295 [1] : vector<512x512xf32> to vector<512xf32>
    %broadcast_in_dim3A_297 = vector.shape_cast %reduce_min3A_296 : vector<512xf32> to vector<512x1xf32>
    %eq3A_298 = vector.broadcast %broadcast_in_dim3A_297 : vector<512x1xf32> to vector<512x512xf32>
    %eq3A_299 = arith.cmpf oeq, %select_n3A_294, %eq3A_298 : vector<512x512xf32>
    %jit3A_300 = arith.constant 512 : i32
    %broadcast_in_dim3A_301 = vector.broadcast %jit3A_300 : i32 to vector<512x512xi32>
    %select_n3A_302 = arith.select %eq3A_299, %iota3A, %broadcast_in_dim3A_301 : vector<512x512xi1>, vector<512x512xi32>
    %reduce_min3A_303 = arith.constant dense<2147483647> : vector<512xi32>
    %reduce_min3A_304 = vector.multi_reduction <minsi>, %select_n3A_302, %reduce_min3A_303 [1] : vector<512x512xi32> to vector<512xi32>
    %broadcast_in_dim3A_305 = vector.shape_cast %reduce_min3A_304 : vector<512xi32> to vector<512x1xi32>
    %eq3A_306 = vector.broadcast %broadcast_in_dim3A_305 : vector<512x1xi32> to vector<512x512xi32>
    %eq3A_307 = arith.cmpi eq, %iota3A, %eq3A_306 : vector<512x512xi32>
    %jit3A_308 = arith.constant 0x7F800000 : f32
    %broadcast_in_dim3A_309 = vector.broadcast %jit3A_308 : f32 to vector<512x512xf32>
    %select_n3A_310 = arith.select %eq3A_307, %broadcast_in_dim3A_309, %select_n3A_294 : vector<512x512xi1>, vector<512x512xf32>
    %reduce_min3A_311 = arith.constant dense<0x7F800000> : vector<512xf32>
    %reduce_min3A_312 = vector.multi_reduction <minimumf>, %select_n3A_310, %reduce_min3A_311 [1] : vector<512x512xf32> to vector<512xf32>
    %broadcast_in_dim3A_313 = vector.shape_cast %reduce_min3A_312 : vector<512xf32> to vector<512x1xf32>
    %eq3A_314 = vector.broadcast %broadcast_in_dim3A_313 : vector<512x1xf32> to vector<512x512xf32>
    %eq3A_315 = arith.cmpf oeq, %select_n3A_310, %eq3A_314 : vector<512x512xf32>
    %jit3A_316 = arith.constant 512 : i32
    %broadcast_in_dim3A_317 = vector.broadcast %jit3A_316 : i32 to vector<512x512xi32>
    %select_n3A_318 = arith.select %eq3A_315, %iota3A, %broadcast_in_dim3A_317 : vector<512x512xi1>, vector<512x512xi32>
    %reduce_min3A_319 = arith.constant dense<2147483647> : vector<512xi32>
    %reduce_min3A_320 = vector.multi_reduction <minsi>, %select_n3A_318, %reduce_min3A_319 [1] : vector<512x512xi32> to vector<512xi32>
    %broadcast_in_dim3A_321 = vector.shape_cast %reduce_min3A_320 : vector<512xi32> to vector<512x1xi32>
    %eq3A_322 = vector.broadcast %broadcast_in_dim3A_321 : vector<512x1xi32> to vector<512x512xi32>
    %eq3A_323 = arith.cmpi eq, %iota3A, %eq3A_322 : vector<512x512xi32>
    %jit3A_324 = arith.constant 0x7F800000 : f32
    %broadcast_in_dim3A_325 = vector.broadcast %jit3A_324 : f32 to vector<512x512xf32>
    %select_n3A_326 = arith.select %eq3A_323, %broadcast_in_dim3A_325, %select_n3A_310 : vector<512x512xi1>, vector<512x512xf32>
    %reduce_min3A_327 = arith.constant dense<0x7F800000> : vector<512xf32>
    %reduce_min3A_328 = vector.multi_reduction <minimumf>, %select_n3A_326, %reduce_min3A_327 [1] : vector<512x512xf32> to vector<512xf32>
    %broadcast_in_dim3A_329 = vector.shape_cast %reduce_min3A_328 : vector<512xf32> to vector<512x1xf32>
    %eq3A_330 = vector.broadcast %broadcast_in_dim3A_329 : vector<512x1xf32> to vector<512x512xf32>
    %eq3A_331 = arith.cmpf oeq, %select_n3A_326, %eq3A_330 : vector<512x512xf32>
    %jit3A_332 = arith.constant 512 : i32
    %broadcast_in_dim3A_333 = vector.broadcast %jit3A_332 : i32 to vector<512x512xi32>
    %select_n3A_334 = arith.select %eq3A_331, %iota3A, %broadcast_in_dim3A_333 : vector<512x512xi1>, vector<512x512xi32>
    %reduce_min3A_335 = arith.constant dense<2147483647> : vector<512xi32>
    %reduce_min3A_336 = vector.multi_reduction <minsi>, %select_n3A_334, %reduce_min3A_335 [1] : vector<512x512xi32> to vector<512xi32>
    %broadcast_in_dim3A_337 = vector.shape_cast %reduce_min3A_336 : vector<512xi32> to vector<512x1xi32>
    %eq3A_338 = vector.broadcast %broadcast_in_dim3A_337 : vector<512x1xi32> to vector<512x512xi32>
    %eq3A_339 = arith.cmpi eq, %iota3A, %eq3A_338 : vector<512x512xi32>
    %jit3A_340 = arith.constant 0x7F800000 : f32
    %broadcast_in_dim3A_341 = vector.broadcast %jit3A_340 : f32 to vector<512x512xf32>
    %select_n3A_342 = arith.select %eq3A_339, %broadcast_in_dim3A_341, %select_n3A_326 : vector<512x512xi1>, vector<512x512xf32>
    %reduce_min3A_343 = arith.constant dense<0x7F800000> : vector<512xf32>
    %reduce_min3A_344 = vector.multi_reduction <minimumf>, %select_n3A_342, %reduce_min3A_343 [1] : vector<512x512xf32> to vector<512xf32>
    %broadcast_in_dim3A_345 = vector.shape_cast %reduce_min3A_344 : vector<512xf32> to vector<512x1xf32>
    %eq3A_346 = vector.broadcast %broadcast_in_dim3A_345 : vector<512x1xf32> to vector<512x512xf32>
    %eq3A_347 = arith.cmpf oeq, %select_n3A_342, %eq3A_346 : vector<512x512xf32>
    %jit3A_348 = arith.constant 512 : i32
    %broadcast_in_dim3A_349 = vector.broadcast %jit3A_348 : i32 to vector<512x512xi32>
    %select_n3A_350 = arith.select %eq3A_347, %iota3A, %broadcast_in_dim3A_349 : vector<512x512xi1>, vector<512x512xi32>
    %reduce_min3A_351 = arith.constant dense<2147483647> : vector<512xi32>
    %reduce_min3A_352 = vector.multi_reduction <minsi>, %select_n3A_350, %reduce_min3A_351 [1] : vector<512x512xi32> to vector<512xi32>
    %broadcast_in_dim3A_353 = vector.shape_cast %reduce_min3A_352 : vector<512xi32> to vector<512x1xi32>
    %eq3A_354 = vector.broadcast %broadcast_in_dim3A_353 : vector<512x1xi32> to vector<512x512xi32>
    %eq3A_355 = arith.cmpi eq, %iota3A, %eq3A_354 : vector<512x512xi32>
    %jit3A_356 = arith.constant 0x7F800000 : f32
    %broadcast_in_dim3A_357 = vector.broadcast %jit3A_356 : f32 to vector<512x512xf32>
    %select_n3A_358 = arith.select %eq3A_355, %broadcast_in_dim3A_357, %select_n3A_342 : vector<512x512xi1>, vector<512x512xf32>
    %reduce_min3A_359 = arith.constant dense<0x7F800000> : vector<512xf32>
    %reduce_min3A_360 = vector.multi_reduction <minimumf>, %select_n3A_358, %reduce_min3A_359 [1] : vector<512x512xf32> to vector<512xf32>
    %broadcast_in_dim3A_361 = vector.shape_cast %reduce_min3A_360 : vector<512xf32> to vector<512x1xf32>
    %eq3A_362 = vector.broadcast %broadcast_in_dim3A_361 : vector<512x1xf32> to vector<512x512xf32>
    %eq3A_363 = arith.cmpf oeq, %select_n3A_358, %eq3A_362 : vector<512x512xf32>
    %jit3A_364 = arith.constant 512 : i32
    %broadcast_in_dim3A_365 = vector.broadcast %jit3A_364 : i32 to vector<512x512xi32>
    %select_n3A_366 = arith.select %eq3A_363, %iota3A, %broadcast_in_dim3A_365 : vector<512x512xi1>, vector<512x512xi32>
    %reduce_min3A_367 = arith.constant dense<2147483647> : vector<512xi32>
    %reduce_min3A_368 = vector.multi_reduction <minsi>, %select_n3A_366, %reduce_min3A_367 [1] : vector<512x512xi32> to vector<512xi32>
    %broadcast_in_dim3A_369 = vector.shape_cast %reduce_min3A_368 : vector<512xi32> to vector<512x1xi32>
    %eq3A_370 = vector.broadcast %broadcast_in_dim3A_369 : vector<512x1xi32> to vector<512x512xi32>
    %eq3A_371 = arith.cmpi eq, %iota3A, %eq3A_370 : vector<512x512xi32>
    %jit3A_372 = arith.constant 0x7F800000 : f32
    %broadcast_in_dim3A_373 = vector.broadcast %jit3A_372 : f32 to vector<512x512xf32>
    %select_n3A_374 = arith.select %eq3A_371, %broadcast_in_dim3A_373, %select_n3A_358 : vector<512x512xi1>, vector<512x512xf32>
    %reduce_min3A_375 = arith.constant dense<0x7F800000> : vector<512xf32>
    %reduce_min3A_376 = vector.multi_reduction <minimumf>, %select_n3A_374, %reduce_min3A_375 [1] : vector<512x512xf32> to vector<512xf32>
    %broadcast_in_dim3A_377 = vector.shape_cast %reduce_min3A_376 : vector<512xf32> to vector<512x1xf32>
    %eq3A_378 = vector.broadcast %broadcast_in_dim3A_377 : vector<512x1xf32> to vector<512x512xf32>
    %eq3A_379 = arith.cmpf oeq, %select_n3A_374, %eq3A_378 : vector<512x512xf32>
    %jit3A_380 = arith.constant 512 : i32
    %broadcast_in_dim3A_381 = vector.broadcast %jit3A_380 : i32 to vector<512x512xi32>
    %select_n3A_382 = arith.select %eq3A_379, %iota3A, %broadcast_in_dim3A_381 : vector<512x512xi1>, vector<512x512xi32>
    %reduce_min3A_383 = arith.constant dense<2147483647> : vector<512xi32>
    %reduce_min3A_384 = vector.multi_reduction <minsi>, %select_n3A_382, %reduce_min3A_383 [1] : vector<512x512xi32> to vector<512xi32>
    %broadcast_in_dim3A_385 = vector.shape_cast %reduce_min3A_384 : vector<512xi32> to vector<512x1xi32>
    %eq3A_386 = vector.broadcast %broadcast_in_dim3A_385 : vector<512x1xi32> to vector<512x512xi32>
    %eq3A_387 = arith.cmpi eq, %iota3A, %eq3A_386 : vector<512x512xi32>
    %jit3A_388 = arith.constant 0x7F800000 : f32
    %broadcast_in_dim3A_389 = vector.broadcast %jit3A_388 : f32 to vector<512x512xf32>
    %select_n3A_390 = arith.select %eq3A_387, %broadcast_in_dim3A_389, %select_n3A_374 : vector<512x512xi1>, vector<512x512xf32>
    %reduce_min3A_391 = arith.constant dense<0x7F800000> : vector<512xf32>
    %reduce_min3A_392 = vector.multi_reduction <minimumf>, %select_n3A_390, %reduce_min3A_391 [1] : vector<512x512xf32> to vector<512xf32>
    %broadcast_in_dim3A_393 = vector.shape_cast %reduce_min3A_392 : vector<512xf32> to vector<512x1xf32>
    %eq3A_394 = vector.broadcast %broadcast_in_dim3A_393 : vector<512x1xf32> to vector<512x512xf32>
    %eq3A_395 = arith.cmpf oeq, %select_n3A_390, %eq3A_394 : vector<512x512xf32>
    %jit3A_396 = arith.constant 512 : i32
    %broadcast_in_dim3A_397 = vector.broadcast %jit3A_396 : i32 to vector<512x512xi32>
    %select_n3A_398 = arith.select %eq3A_395, %iota3A, %broadcast_in_dim3A_397 : vector<512x512xi1>, vector<512x512xi32>
    %reduce_min3A_399 = arith.constant dense<2147483647> : vector<512xi32>
    %reduce_min3A_400 = vector.multi_reduction <minsi>, %select_n3A_398, %reduce_min3A_399 [1] : vector<512x512xi32> to vector<512xi32>
    %broadcast_in_dim3A_401 = vector.shape_cast %reduce_min3A_400 : vector<512xi32> to vector<512x1xi32>
    %eq3A_402 = vector.broadcast %broadcast_in_dim3A_401 : vector<512x1xi32> to vector<512x512xi32>
    %eq3A_403 = arith.cmpi eq, %iota3A, %eq3A_402 : vector<512x512xi32>
    %jit3A_404 = arith.constant 0x7F800000 : f32
    %broadcast_in_dim3A_405 = vector.broadcast %jit3A_404 : f32 to vector<512x512xf32>
    %select_n3A_406 = arith.select %eq3A_403, %broadcast_in_dim3A_405, %select_n3A_390 : vector<512x512xi1>, vector<512x512xf32>
    %reduce_min3A_407 = arith.constant dense<0x7F800000> : vector<512xf32>
    %reduce_min3A_408 = vector.multi_reduction <minimumf>, %select_n3A_406, %reduce_min3A_407 [1] : vector<512x512xf32> to vector<512xf32>
    %broadcast_in_dim3A_409 = vector.shape_cast %reduce_min3A_408 : vector<512xf32> to vector<512x1xf32>
    %eq3A_410 = vector.broadcast %broadcast_in_dim3A_409 : vector<512x1xf32> to vector<512x512xf32>
    %eq3A_411 = arith.cmpf oeq, %select_n3A_406, %eq3A_410 : vector<512x512xf32>
    %jit3A_412 = arith.constant 512 : i32
    %broadcast_in_dim3A_413 = vector.broadcast %jit3A_412 : i32 to vector<512x512xi32>
    %select_n3A_414 = arith.select %eq3A_411, %iota3A, %broadcast_in_dim3A_413 : vector<512x512xi1>, vector<512x512xi32>
    %reduce_min3A_415 = arith.constant dense<2147483647> : vector<512xi32>
    %reduce_min3A_416 = vector.multi_reduction <minsi>, %select_n3A_414, %reduce_min3A_415 [1] : vector<512x512xi32> to vector<512xi32>
    %broadcast_in_dim3A_417 = vector.shape_cast %reduce_min3A_416 : vector<512xi32> to vector<512x1xi32>
    %eq3A_418 = vector.broadcast %broadcast_in_dim3A_417 : vector<512x1xi32> to vector<512x512xi32>
    %eq3A_419 = arith.cmpi eq, %iota3A, %eq3A_418 : vector<512x512xi32>
    %jit3A_420 = arith.constant 0x7F800000 : f32
    %broadcast_in_dim3A_421 = vector.broadcast %jit3A_420 : f32 to vector<512x512xf32>
    %select_n3A_422 = arith.select %eq3A_419, %broadcast_in_dim3A_421, %select_n3A_406 : vector<512x512xi1>, vector<512x512xf32>
    %reduce_min3A_423 = arith.constant dense<0x7F800000> : vector<512xf32>
    %reduce_min3A_424 = vector.multi_reduction <minimumf>, %select_n3A_422, %reduce_min3A_423 [1] : vector<512x512xf32> to vector<512xf32>
    %broadcast_in_dim3A_425 = vector.shape_cast %reduce_min3A_424 : vector<512xf32> to vector<512x1xf32>
    %eq3A_426 = vector.broadcast %broadcast_in_dim3A_425 : vector<512x1xf32> to vector<512x512xf32>
    %eq3A_427 = arith.cmpf oeq, %select_n3A_422, %eq3A_426 : vector<512x512xf32>
    %jit3A_428 = arith.constant 512 : i32
    %broadcast_in_dim3A_429 = vector.broadcast %jit3A_428 : i32 to vector<512x512xi32>
    %select_n3A_430 = arith.select %eq3A_427, %iota3A, %broadcast_in_dim3A_429 : vector<512x512xi1>, vector<512x512xi32>
    %reduce_min3A_431 = arith.constant dense<2147483647> : vector<512xi32>
    %reduce_min3A_432 = vector.multi_reduction <minsi>, %select_n3A_430, %reduce_min3A_431 [1] : vector<512x512xi32> to vector<512xi32>
    %broadcast_in_dim3A_433 = vector.shape_cast %reduce_min3A_432 : vector<512xi32> to vector<512x1xi32>
    %eq3A_434 = vector.broadcast %broadcast_in_dim3A_433 : vector<512x1xi32> to vector<512x512xi32>
    %eq3A_435 = arith.cmpi eq, %iota3A, %eq3A_434 : vector<512x512xi32>
    %jit3A_436 = arith.constant 0x7F800000 : f32
    %broadcast_in_dim3A_437 = vector.broadcast %jit3A_436 : f32 to vector<512x512xf32>
    %select_n3A_438 = arith.select %eq3A_435, %broadcast_in_dim3A_437, %select_n3A_422 : vector<512x512xi1>, vector<512x512xf32>
    %reduce_min3A_439 = arith.constant dense<0x7F800000> : vector<512xf32>
    %reduce_min3A_440 = vector.multi_reduction <minimumf>, %select_n3A_438, %reduce_min3A_439 [1] : vector<512x512xf32> to vector<512xf32>
    %broadcast_in_dim3A_441 = vector.shape_cast %reduce_min3A_440 : vector<512xf32> to vector<512x1xf32>
    %eq3A_442 = vector.broadcast %broadcast_in_dim3A_441 : vector<512x1xf32> to vector<512x512xf32>
    %eq3A_443 = arith.cmpf oeq, %select_n3A_438, %eq3A_442 : vector<512x512xf32>
    %jit3A_444 = arith.constant 512 : i32
    %broadcast_in_dim3A_445 = vector.broadcast %jit3A_444 : i32 to vector<512x512xi32>
    %select_n3A_446 = arith.select %eq3A_443, %iota3A, %broadcast_in_dim3A_445 : vector<512x512xi1>, vector<512x512xi32>
    %reduce_min3A_447 = arith.constant dense<2147483647> : vector<512xi32>
    %reduce_min3A_448 = vector.multi_reduction <minsi>, %select_n3A_446, %reduce_min3A_447 [1] : vector<512x512xi32> to vector<512xi32>
    %broadcast_in_dim3A_449 = vector.shape_cast %reduce_min3A_448 : vector<512xi32> to vector<512x1xi32>
    %eq3A_450 = vector.broadcast %broadcast_in_dim3A_449 : vector<512x1xi32> to vector<512x512xi32>
    %eq3A_451 = arith.cmpi eq, %iota3A, %eq3A_450 : vector<512x512xi32>
    %jit3A_452 = arith.constant 0x7F800000 : f32
    %broadcast_in_dim3A_453 = vector.broadcast %jit3A_452 : f32 to vector<512x512xf32>
    %select_n3A_454 = arith.select %eq3A_451, %broadcast_in_dim3A_453, %select_n3A_438 : vector<512x512xi1>, vector<512x512xf32>
    %reduce_min3A_455 = arith.constant dense<0x7F800000> : vector<512xf32>
    %reduce_min3A_456 = vector.multi_reduction <minimumf>, %select_n3A_454, %reduce_min3A_455 [1] : vector<512x512xf32> to vector<512xf32>
    %broadcast_in_dim3A_457 = vector.shape_cast %reduce_min3A_456 : vector<512xf32> to vector<512x1xf32>
    %eq3A_458 = vector.broadcast %broadcast_in_dim3A_457 : vector<512x1xf32> to vector<512x512xf32>
    %eq3A_459 = arith.cmpf oeq, %select_n3A_454, %eq3A_458 : vector<512x512xf32>
    %jit3A_460 = arith.constant 512 : i32
    %broadcast_in_dim3A_461 = vector.broadcast %jit3A_460 : i32 to vector<512x512xi32>
    %select_n3A_462 = arith.select %eq3A_459, %iota3A, %broadcast_in_dim3A_461 : vector<512x512xi1>, vector<512x512xi32>
    %reduce_min3A_463 = arith.constant dense<2147483647> : vector<512xi32>
    %reduce_min3A_464 = vector.multi_reduction <minsi>, %select_n3A_462, %reduce_min3A_463 [1] : vector<512x512xi32> to vector<512xi32>
    %broadcast_in_dim3A_465 = vector.shape_cast %reduce_min3A_464 : vector<512xi32> to vector<512x1xi32>
    %eq3A_466 = vector.broadcast %broadcast_in_dim3A_465 : vector<512x1xi32> to vector<512x512xi32>
    %eq3A_467 = arith.cmpi eq, %iota3A, %eq3A_466 : vector<512x512xi32>
    %jit3A_468 = arith.constant 0x7F800000 : f32
    %broadcast_in_dim3A_469 = vector.broadcast %jit3A_468 : f32 to vector<512x512xf32>
    %select_n3A_470 = arith.select %eq3A_467, %broadcast_in_dim3A_469, %select_n3A_454 : vector<512x512xi1>, vector<512x512xf32>
    %reduce_min3A_471 = arith.constant dense<0x7F800000> : vector<512xf32>
    %reduce_min3A_472 = vector.multi_reduction <minimumf>, %select_n3A_470, %reduce_min3A_471 [1] : vector<512x512xf32> to vector<512xf32>
    %broadcast_in_dim3A_473 = vector.shape_cast %reduce_min3A_472 : vector<512xf32> to vector<512x1xf32>
    %eq3A_474 = vector.broadcast %broadcast_in_dim3A_473 : vector<512x1xf32> to vector<512x512xf32>
    %eq3A_475 = arith.cmpf oeq, %select_n3A_470, %eq3A_474 : vector<512x512xf32>
    %jit3A_476 = arith.constant 512 : i32
    %broadcast_in_dim3A_477 = vector.broadcast %jit3A_476 : i32 to vector<512x512xi32>
    %select_n3A_478 = arith.select %eq3A_475, %iota3A, %broadcast_in_dim3A_477 : vector<512x512xi1>, vector<512x512xi32>
    %reduce_min3A_479 = arith.constant dense<2147483647> : vector<512xi32>
    %reduce_min3A_480 = vector.multi_reduction <minsi>, %select_n3A_478, %reduce_min3A_479 [1] : vector<512x512xi32> to vector<512xi32>
    %broadcast_in_dim3A_481 = vector.shape_cast %reduce_min3A_480 : vector<512xi32> to vector<512x1xi32>
    %eq3A_482 = vector.broadcast %broadcast_in_dim3A_481 : vector<512x1xi32> to vector<512x512xi32>
    %eq3A_483 = arith.cmpi eq, %iota3A, %eq3A_482 : vector<512x512xi32>
    %jit3A_484 = arith.constant 0x7F800000 : f32
    %broadcast_in_dim3A_485 = vector.broadcast %jit3A_484 : f32 to vector<512x512xf32>
    %select_n3A_486 = arith.select %eq3A_483, %broadcast_in_dim3A_485, %select_n3A_470 : vector<512x512xi1>, vector<512x512xf32>
    %reduce_min3A_487 = arith.constant dense<0x7F800000> : vector<512xf32>
    %reduce_min3A_488 = vector.multi_reduction <minimumf>, %select_n3A_486, %reduce_min3A_487 [1] : vector<512x512xf32> to vector<512xf32>
    %broadcast_in_dim3A_489 = vector.shape_cast %reduce_min3A_488 : vector<512xf32> to vector<512x1xf32>
    %eq3A_490 = vector.broadcast %broadcast_in_dim3A_489 : vector<512x1xf32> to vector<512x512xf32>
    %eq3A_491 = arith.cmpf oeq, %select_n3A_486, %eq3A_490 : vector<512x512xf32>
    %jit3A_492 = arith.constant 512 : i32
    %broadcast_in_dim3A_493 = vector.broadcast %jit3A_492 : i32 to vector<512x512xi32>
    %select_n3A_494 = arith.select %eq3A_491, %iota3A, %broadcast_in_dim3A_493 : vector<512x512xi1>, vector<512x512xi32>
    %reduce_min3A_495 = arith.constant dense<2147483647> : vector<512xi32>
    %reduce_min3A_496 = vector.multi_reduction <minsi>, %select_n3A_494, %reduce_min3A_495 [1] : vector<512x512xi32> to vector<512xi32>
    %broadcast_in_dim3A_497 = vector.shape_cast %reduce_min3A_496 : vector<512xi32> to vector<512x1xi32>
    %concatenate3A = tpu.concatenate %broadcast_in_dim3A, %broadcast_in_dim3A_41, %broadcast_in_dim3A_57, %broadcast_in_dim3A_73, %broadcast_in_dim3A_89, %broadcast_in_dim3A_105, %broadcast_in_dim3A_121, %broadcast_in_dim3A_137, %broadcast_in_dim3A_153, %broadcast_in_dim3A_169, %broadcast_in_dim3A_185, %broadcast_in_dim3A_201, %broadcast_in_dim3A_217, %broadcast_in_dim3A_233, %broadcast_in_dim3A_249, %broadcast_in_dim3A_265, %broadcast_in_dim3A_281, %broadcast_in_dim3A_297, %broadcast_in_dim3A_313, %broadcast_in_dim3A_329, %broadcast_in_dim3A_345, %broadcast_in_dim3A_361, %broadcast_in_dim3A_377, %broadcast_in_dim3A_393, %broadcast_in_dim3A_409, %broadcast_in_dim3A_425, %broadcast_in_dim3A_441, %broadcast_in_dim3A_457, %broadcast_in_dim3A_473, %broadcast_in_dim3A_489 in 1 : vector<512x1xf32>, vector<512x1xf32>, vector<512x1xf32>, vector<512x1xf32>, vector<512x1xf32>, vector<512x1xf32>, vector<512x1xf32>, vector<512x1xf32>, vector<512x1xf32>, vector<512x1xf32>, vector<512x1xf32>, vector<512x1xf32>, vector<512x1xf32>, vector<512x1xf32>, vector<512x1xf32>, vector<512x1xf32>, vector<512x1xf32>, vector<512x1xf32>, vector<512x1xf32>, vector<512x1xf32>, vector<512x1xf32>, vector<512x1xf32>, vector<512x1xf32>, vector<512x1xf32>, vector<512x1xf32>, vector<512x1xf32>, vector<512x1xf32>, vector<512x1xf32>, vector<512x1xf32>, vector<512x1xf32> -> vector<512x30xf32>
    %swap3A = arith.constant 0 : index
    %swap3A_498 = arith.constant 0 : index
    %swap3A_499 = arith.constant 0 : index
    %swap3A_500 = vector.load %arg3[%swap3A, %swap3A_498, %swap3A_499] : memref<1x512x30xf32, #tpu.memory_space<vmem>>, vector<1x512x30xf32>
    %swap3A_501 = vector.shape_cast %swap3A_500 : vector<1x512x30xf32> to vector<512x30xf32>
    %swap3A_502 = vector.shape_cast %concatenate3A : vector<512x30xf32> to vector<1x512x30xf32>
    tpu.vector_store %arg3[%swap3A, %swap3A_498, %swap3A_499], %swap3A_502 {strides = array<i32>} : memref<1x512x30xf32, #tpu.memory_space<vmem>>, vector<1x512x30xf32>,
    %concatenate3A_503 = tpu.concatenate %broadcast_in_dim3A_33, %broadcast_in_dim3A_49, %broadcast_in_dim3A_65, %broadcast_in_dim3A_81, %broadcast_in_dim3A_97, %broadcast_in_dim3A_113, %broadcast_in_dim3A_129, %broadcast_in_dim3A_145, %broadcast_in_dim3A_161, %broadcast_in_dim3A_177, %broadcast_in_dim3A_193, %broadcast_in_dim3A_209, %broadcast_in_dim3A_225, %broadcast_in_dim3A_241, %broadcast_in_dim3A_257, %broadcast_in_dim3A_273, %broadcast_in_dim3A_289, %broadcast_in_dim3A_305, %broadcast_in_dim3A_321, %broadcast_in_dim3A_337, %broadcast_in_dim3A_353, %broadcast_in_dim3A_369, %broadcast_in_dim3A_385, %broadcast_in_dim3A_401, %broadcast_in_dim3A_417, %broadcast_in_dim3A_433, %broadcast_in_dim3A_449, %broadcast_in_dim3A_465, %broadcast_in_dim3A_481, %broadcast_in_dim3A_497 in 1 : vector<512x1xi32>, vector<512x1xi32>, vector<512x1xi32>, vector<512x1xi32>, vector<512x1xi32>, vector<512x1xi32>, vector<512x1xi32>, vector<512x1xi32>, vector<512x1xi32>, vector<512x1xi32>, vector<512x1xi32>, vector<512x1xi32>, vector<512x1xi32>, vector<512x1xi32>, vector<512x1xi32>, vector<512x1xi32>, vector<512x1xi32>, vector<512x1xi32>, vector<512x1xi32>, vector<512x1xi32>, vector<512x1xi32>, vector<512x1xi32>, vector<512x1xi32>, vector<512x1xi32>, vector<512x1xi32>, vector<512x1xi32>, vector<512x1xi32>, vector<512x1xi32>, vector<512x1xi32>, vector<512x1xi32> -> vector<512x30xi32>
    %swap3A_504 = arith.constant 0 : index
    %swap3A_505 = arith.constant 0 : index
    %swap3A_506 = arith.constant 0 : index
    %swap3A_507 = vector.load %arg4[%swap3A_504, %swap3A_505, %swap3A_506] : memref<1x512x30xi32, #tpu.memory_space<vmem>>, vector<1x512x30xi32>
    %swap3A_508 = vector.shape_cast %swap3A_507 : vector<1x512x30xi32> to vector<512x30xi32>
    %swap3A_509 = vector.shape_cast %concatenate3A_503 : vector<512x30xi32> to vector<1x512x30xi32>
    tpu.vector_store %arg4[%swap3A_504, %swap3A_505, %swap3A_506], %swap3A_509 {strides = array<i32>} : memref<1x512x30xi32, #tpu.memory_space<vmem>>, vector<1x512x30xi32>,
    %slice3A_510 = vector.extract_strided_slice %get3A_3 {offsets = [0, 0], sizes = [512, 1], strides = [1, 1]} : vector<512x3xf32> to vector<512x1xf32>
    %slice3A_511 = vector.extract_strided_slice %get3A_3 {offsets = [0, 1], sizes = [512, 1], strides = [1, 1]} : vector<512x3xf32> to vector<512x1xf32>
    %slice3A_512 = vector.extract_strided_slice %get3A_3 {offsets = [0, 2], sizes = [512, 1], strides = [1, 1]} : vector<512x3xf32> to vector<512x1xf32>
    %mul3A_513 = arith.mulf %slice3A_510, %slice3A_510 : vector<512x1xf32>
    %mul3A_514 = arith.mulf %slice3A_511, %slice3A_511 : vector<512x1xf32>
    %add3A_515 = arith.addf %mul3A_513, %mul3A_514 : vector<512x1xf32>
    %mul3A_516 = arith.mulf %slice3A_512, %slice3A_512 : vector<512x1xf32>
    %add3A_517 = arith.addf %add3A_515, %mul3A_516 : vector<512x1xf32>
    %sqrt3A_518 = math.sqrt %add3A_517 : vector<512x1xf32>
    %div3A = arith.divf %slice3A_512, %sqrt3A_518 : vector<512x1xf32>
    %abs3A = math.absf %div3A : vector<512x1xf32>
    %le3A = arith.constant 1.000000e+00 : f32
    %le3A_519 = vector.broadcast %le3A : f32 to vector<512x1xf32>
    %le3A_520 = arith.cmpf ole, %abs3A, %le3A_519 : vector<512x1xf32>
    %not3A = arith.constant dense<true> : vector<512x1xi1>
    %not3A_521 = arith.xori %le3A_520, %not3A : vector<512x1xi1>
    %mul3A_522 = arith.mulf %slice3A_510, %slice3A_510 : vector<512x1xf32>
    %mul3A_523 = arith.mulf %slice3A_511, %slice3A_511 : vector<512x1xf32>
    %add3A_524 = arith.addf %mul3A_522, %mul3A_523 : vector<512x1xf32>
    %sqrt3A_525 = math.sqrt %add3A_524 : vector<512x1xf32>
    %gt3A = arith.constant 0.000000e+00 : f32
    %gt3A_526 = vector.broadcast %gt3A : f32 to vector<512x1xf32>
    %gt3A_527 = arith.cmpf ogt, %sqrt3A_525, %gt3A_526 : vector<512x1xf32>
    %div3A_528 = arith.divf %slice3A_510, %sqrt3A_525 : vector<512x1xf32>
    %jit3A_529 = arith.constant 1.000000e+00 : f32
    %broadcast_in_dim3A_530 = vector.broadcast %jit3A_529 : f32 to vector<512x1xf32>
    %select_n3A_531 = arith.select %gt3A_527, %div3A_528, %broadcast_in_dim3A_530 : vector<512x1xi1>, vector<512x1xf32>
    %mul3A_532 = arith.mulf %select_n3A_531, %select_n3A_531 : vector<512x1xf32>
    %sub3A_533 = arith.constant 1.000000e+00 : f32
    %sub3A_534 = vector.broadcast %sub3A_533 : f32 to vector<512x1xf32>
    %sub3A_535 = arith.subf %sub3A_534, %mul3A_532 : vector<512x1xf32>
    %max3A = arith.constant 0.000000e+00 : f32
    %max3A_536 = vector.broadcast %max3A : f32 to vector<512x1xf32>
    %max3A_537 = arith.maximumf %sub3A_535, %max3A_536 : vector<512x1xf32>
    %sqrt3A_538 = math.sqrt %max3A_537 : vector<512x1xf32>
    %mul3A_539 = arith.mulf %select_n3A_531, %select_n3A_531 : vector<512x1xf32>
    %mul3A_540 = arith.constant 2.000000e+00 : f32
    %mul3A_541 = vector.broadcast %mul3A_540 : f32 to vector<512x1xf32>
    %mul3A_542 = arith.mulf %mul3A_541, %select_n3A_531 : vector<512x1xf32>
    %mul3A_543 = arith.mulf %mul3A_542, %select_n3A_531 : vector<512x1xf32>
    %sub3A_544 = arith.constant 1.000000e+00 : f32
    %sub3A_545 = vector.broadcast %sub3A_544 : f32 to vector<512x1xf32>
    %sub3A_546 = arith.subf %mul3A_543, %sub3A_545 : vector<512x1xf32>
    %mul3A_547 = arith.mulf %sub3A_546, %sub3A_546 : vector<512x1xf32>
    %broadcast_in_dim3A_548 = arith.constant 0.000000e+00 : f32
    %broadcast_in_dim3A_549 = vector.broadcast %broadcast_in_dim3A_548 : f32 to vector<512x1xf32>
    %broadcast_in_dim3A_550 = arith.constant 1.000000e+00 : f32
    %broadcast_in_dim3A_551 = vector.broadcast %broadcast_in_dim3A_550 : f32 to vector<512x1xf32>
    %mul3A_552 = arith.constant 0.00633257395 : f32
    %mul3A_553 = vector.broadcast %mul3A_552 : f32 to vector<512x1xf32>
    %mul3A_554 = arith.mulf %mul3A_553, %broadcast_in_dim3A_551 : vector<512x1xf32>
    %mul3A_555 = arith.mulf %mul3A_554, %broadcast_in_dim3A_551 : vector<512x1xf32>
    %add3A_556 = arith.addf %broadcast_in_dim3A_549, %mul3A_555 : vector<512x1xf32>
    %sqrt3A_557 = math.sqrt %add3A_556 : vector<512x1xf32>
    %jit3A_558 = arith.constant 0.000000e+00 : f32
    %broadcast_in_dim3A_559 = vector.broadcast %jit3A_558 : f32 to vector<512x1xf32>
    %select_n3A_560 = arith.select %not3A_521, %broadcast_in_dim3A_559, %sqrt3A_557 : vector<512x1xi1>, vector<512x1xf32>
    %broadcast_in_dim3A_561 = arith.constant 0.000000e+00 : f32
    %broadcast_in_dim3A_562 = vector.broadcast %broadcast_in_dim3A_561 : f32 to vector<512x1xf32>
    %mul3A_563 = arith.constant 5.000000e-01 : f32
    %mul3A_564 = vector.broadcast %mul3A_563 : f32 to vector<512x1xf32>
    %mul3A_565 = arith.mulf %mul3A_564, %sqrt3A_538 : vector<512x1xf32>
    %mul3A_566 = arith.constant 0.227972656 : f32
    %mul3A_567 = vector.broadcast %mul3A_566 : f32 to vector<512x1xf32>
    %mul3A_568 = arith.mulf %mul3A_567, %mul3A_565 : vector<512x1xf32>
    %mul3A_569 = arith.mulf %mul3A_568, %mul3A_565 : vector<512x1xf32>
    %mul3A_570 = arith.mulf %mul3A_569, %mul3A_539 : vector<512x1xf32>
    %add3A_571 = arith.addf %broadcast_in_dim3A_562, %mul3A_570 : vector<512x1xf32>
    %mul3A_572 = arith.constant 0.0569931641 : f32
    %mul3A_573 = vector.broadcast %mul3A_572 : f32 to vector<512x1xf32>
    %mul3A_574 = arith.mulf %mul3A_573, %select_n3A_531 : vector<512x1xf32>
    %mul3A_575 = arith.mulf %mul3A_574, %select_n3A_531 : vector<512x1xf32>
    %add3A_576 = arith.addf %add3A_571, %mul3A_575 : vector<512x1xf32>
    %neg3A = arith.constant 0.000000e+00 : f32
    %neg3A_577 = vector.broadcast %neg3A : f32 to vector<512x1xf32>
    %neg3A_578 = arith.subf %neg3A_577, %sqrt3A_538 : vector<512x1xf32>
    %mul3A_579 = arith.constant 0.014248291 : f32
    %mul3A_580 = vector.broadcast %mul3A_579 : f32 to vector<512x1xf32>
    %mul3A_581 = arith.mulf %mul3A_580, %neg3A_578 : vector<512x1xf32>
    %mul3A_582 = arith.mulf %mul3A_581, %neg3A_578 : vector<512x1xf32>
    %mul3A_583 = arith.mulf %mul3A_582, %mul3A_539 : vector<512x1xf32>
    %add3A_584 = arith.addf %add3A_576, %mul3A_583 : vector<512x1xf32>
    %sqrt3A_585 = math.sqrt %add3A_584 : vector<512x1xf32>
    %jit3A_586 = arith.constant 0.000000e+00 : f32
    %broadcast_in_dim3A_587 = vector.broadcast %jit3A_586 : f32 to vector<512x1xf32>
    %select_n3A_588 = arith.select %not3A_521, %broadcast_in_dim3A_587, %sqrt3A_585 : vector<512x1xi1>, vector<512x1xf32>
    %broadcast_in_dim3A_589 = arith.constant 0.000000e+00 : f32
    %broadcast_in_dim3A_590 = vector.broadcast %broadcast_in_dim3A_589 : f32 to vector<512x1xf32>
    %mul3A_591 = arith.mulf %select_n3A_531, %select_n3A_531 : vector<512x1xf32>
    %sub3A_592 = arith.constant 1.000000e+00 : f32
    %sub3A_593 = vector.broadcast %sub3A_592 : f32 to vector<512x1xf32>
    %sub3A_594 = arith.subf %sub3A_593, %mul3A_591 : vector<512x1xf32>
    %div3A_595 = arith.constant 8.000000e+00 : f32
    %div3A_596 = vector.broadcast %div3A_595 : f32 to vector<512x1xf32>
    %div3A_597 = arith.divf %sub3A_594, %div3A_596 : vector<512x1xf32>
    %mul3A_598 = arith.constant 91.189064 : f32
    %mul3A_599 = vector.broadcast %mul3A_598 : f32 to vector<512x1xf32>
    %mul3A_600 = arith.mulf %mul3A_599, %div3A_597 : vector<512x1xf32>
    %mul3A_601 = arith.mulf %mul3A_600, %div3A_597 : vector<512x1xf32>
    %mul3A_602 = arith.mulf %mul3A_601, %mul3A_547 : vector<512x1xf32>
    %add3A_603 = arith.addf %broadcast_in_dim3A_590, %mul3A_602 : vector<512x1xf32>
    %mul3A_604 = arith.constant 5.000000e-01 : f32
    %mul3A_605 = vector.broadcast %mul3A_604 : f32 to vector<512x1xf32>
    %mul3A_606 = arith.mulf %mul3A_605, %select_n3A_531 : vector<512x1xf32>
    %mul3A_607 = arith.mulf %mul3A_606, %sqrt3A_538 : vector<512x1xf32>
    %mul3A_608 = arith.constant 5.6993165 : f32
    %mul3A_609 = vector.broadcast %mul3A_608 : f32 to vector<512x1xf32>
    %mul3A_610 = arith.mulf %mul3A_609, %mul3A_607 : vector<512x1xf32>
    %mul3A_611 = arith.mulf %mul3A_610, %mul3A_607 : vector<512x1xf32>
    %mul3A_612 = arith.mulf %mul3A_611, %mul3A_539 : vector<512x1xf32>
    %add3A_613 = arith.addf %add3A_603, %mul3A_612 : vector<512x1xf32>
    %mul3A_614 = arith.constant 3.000000e+00 : f32
    %mul3A_615 = vector.broadcast %mul3A_614 : f32 to vector<512x1xf32>
    %mul3A_616 = arith.mulf %mul3A_615, %select_n3A_531 : vector<512x1xf32>
    %mul3A_617 = arith.mulf %mul3A_616, %select_n3A_531 : vector<512x1xf32>
    %sub3A_618 = arith.constant 1.000000e+00 : f32
    %sub3A_619 = vector.broadcast %sub3A_618 : f32 to vector<512x1xf32>
    %sub3A_620 = arith.subf %mul3A_617, %sub3A_619 : vector<512x1xf32>
    %mul3A_621 = arith.constant 5.000000e-01 : f32
    %mul3A_622 = vector.broadcast %mul3A_621 : f32 to vector<512x1xf32>
    %mul3A_623 = arith.mulf %mul3A_622, %sub3A_620 : vector<512x1xf32>
    %mul3A_624 = arith.constant 0.158314347 : f32
    %mul3A_625 = vector.broadcast %mul3A_624 : f32 to vector<512x1xf32>
    %mul3A_626 = arith.mulf %mul3A_625, %mul3A_623 : vector<512x1xf32>
    %mul3A_627 = arith.mulf %mul3A_626, %mul3A_623 : vector<512x1xf32>
    %add3A_628 = arith.addf %add3A_613, %mul3A_627 : vector<512x1xf32>
    %mul3A_629 = arith.constant -3.000000e+00 : f32
    %mul3A_630 = vector.broadcast %mul3A_629 : f32 to vector<512x1xf32>
    %mul3A_631 = arith.mulf %mul3A_630, %select_n3A_531 : vector<512x1xf32>
    %mul3A_632 = arith.mulf %mul3A_631, %sqrt3A_538 : vector<512x1xf32>
    %mul3A_633 = arith.constant 0.00439762091 : f32
    %mul3A_634 = vector.broadcast %mul3A_633 : f32 to vector<512x1xf32>
    %mul3A_635 = arith.mulf %mul3A_634, %mul3A_632 : vector<512x1xf32>
    %mul3A_636 = arith.mulf %mul3A_635, %mul3A_632 : vector<512x1xf32>
    %mul3A_637 = arith.mulf %mul3A_636, %mul3A_539 : vector<512x1xf32>
    %add3A_638 = arith.addf %add3A_628, %mul3A_637 : vector<512x1xf32>
    %mul3A_639 = arith.mulf %select_n3A_531, %select_n3A_531 : vector<512x1xf32>
    %sub3A_640 = arith.constant 1.000000e+00 : f32
    %sub3A_641 = vector.broadcast %sub3A_640 : f32 to vector<512x1xf32>
    %sub3A_642 = arith.subf %sub3A_641, %mul3A_639 : vector<512x1xf32>
    %mul3A_643 = arith.constant 3.000000e+00 : f32
    %mul3A_644 = vector.broadcast %mul3A_643 : f32 to vector<512x1xf32>
    %mul3A_645 = arith.mulf %mul3A_644, %sub3A_642 : vector<512x1xf32>
    %mul3A_646 = arith.constant 2.74851307E-4 : f32
    %mul3A_647 = vector.broadcast %mul3A_646 : f32 to vector<512x1xf32>
    %mul3A_648 = arith.mulf %mul3A_647, %mul3A_645 : vector<512x1xf32>
    %mul3A_649 = arith.mulf %mul3A_648, %mul3A_645 : vector<512x1xf32>
    %mul3A_650 = arith.mulf %mul3A_649, %mul3A_547 : vector<512x1xf32>
    %add3A_651 = arith.addf %add3A_638, %mul3A_650 : vector<512x1xf32>
    %sqrt3A_652 = math.sqrt %add3A_651 : vector<512x1xf32>
    %jit3A_653 = arith.constant 0.000000e+00 : f32
    %broadcast_in_dim3A_654 = vector.broadcast %jit3A_653 : f32 to vector<512x1xf32>
    %select_n3A_655 = arith.select %not3A_521, %broadcast_in_dim3A_654, %sqrt3A_652 : vector<512x1xi1>, vector<512x1xf32>
    %concatenate3A_656 = tpu.concatenate %select_n3A_560, %select_n3A_588, %select_n3A_655 in 1 : vector<512x1xf32>, vector<512x1xf32>, vector<512x1xf32> -> vector<512x3xf32>
    %swap3A_657 = arith.constant 0 : index
    %swap3A_658 = arith.constant 0 : index
    %swap3A_659 = arith.constant 0 : index
    %swap3A_660 = vector.load %arg5[%swap3A_657, %swap3A_658, %swap3A_659] : memref<1x512x3xf32, #tpu.memory_space<vmem>>, vector<1x512x3xf32>
    %swap3A_661 = vector.shape_cast %swap3A_660 : vector<1x512x3xf32> to vector<512x3xf32>
    %swap3A_662 = vector.shape_cast %concatenate3A_656 : vector<512x3xf32> to vector<1x512x3xf32>
    tpu.vector_store %arg5[%swap3A_657, %swap3A_658, %swap3A_659], %swap3A_662 {strides = array<i32>} : memref<1x512x3xf32, #tpu.memory_space<vmem>>, vector<1x512x3xf32>,
    return
  }
  func.func @transform_0(%arg0: i32) -> (i32, i32, i32) {
    %c0_i32 = arith.constant 0 : i32
    %c0_i32_0 = arith.constant 0 : i32
    %c0_i32_1 = arith.constant 0 : i32
    return %arg0, %c0_i32, %c0_i32_0 : i32, i32, i32
  }
  func.func @transform_1(%arg0: i32) -> (i32, i32, i32) {
    %c0_i32 = arith.constant 0 : i32
    %c0_i32_0 = arith.constant 0 : i32
    %c0_i32_1 = arith.constant 0 : i32
    return %arg0, %c0_i32, %c0_i32_0 : i32, i32, i32
  }
  func.func @transform_2(%arg0: i32) -> (i32, i32, i32) {
    %c0_i32 = arith.constant 0 : i32
    %c0_i32_0 = arith.constant 0 : i32
    %c0_i32_1 = arith.constant 0 : i32
    return %arg0, %c0_i32, %c0_i32_0 : i32, i32, i32
  }
  func.func @transform_3(%arg0: i32) -> (i32, i32, i32) {
    %c0_i32 = arith.constant 0 : i32
    %c0_i32_0 = arith.constant 0 : i32
    %c0_i32_1 = arith.constant 0 : i32
    return %arg0, %c0_i32, %c0_i32_0 : i32, i32, i32
  }
  func.func @transform_4(%arg0: i32) -> (i32, i32, i32) {
    %c0_i32 = arith.constant 0 : i32
    %c0_i32_0 = arith.constant 0 : i32
    %c0_i32_1 = arith.constant 0 : i32
    return %arg0, %c0_i32, %c0_i32_0 : i32, i32, i32
  }
}

module attributes {stable_mosaic.version = 14 : i64} {
  func.func @_edge_body(%arg0: i32, %arg1: i32, %arg2: memref<1x128x30xi32, #tpu.memory_space<vmem>>, %arg3: memref<1x128x30xf32, #tpu.memory_space<vmem>>, %arg4: memref<1x512x32xbf16, #tpu.memory_space<vmem>>, %arg5: memref<1x512x32xbf16, #tpu.memory_space<vmem>>, %arg6: memref<1x128x24xf32, #tpu.memory_space<vmem>>, %arg7: memref<66x16xf32, #tpu.memory_space<vmem>>, %arg8: memref<1x16xf32, #tpu.memory_space<vmem>>, %arg9: memref<163x128xbf16, #tpu.memory_space<vmem>>, %arg10: memref<163x128xbf16, #tpu.memory_space<vmem>>, %arg11: memref<1x128xf32, #tpu.memory_space<vmem>>, %arg12: memref<1x128xf32, #tpu.memory_space<vmem>>, %arg13: memref<1x3840x128xf32, #tpu.memory_space<vmem>>) attributes {dimension_semantics = [#tpu.dimension_semantics<arbitrary>, #tpu.dimension_semantics<arbitrary>], iteration_bounds = array<i64: 8, 4>, scalar_prefetch = 0 : i64, scratch_operands = 0 : i64, tpu.core_type = #tpu.core_type<tc>, window_params = [{transform_indices = @transform_0, window_bounds = array<i64: 1, 128, 30>}, {transform_indices = @transform_1, window_bounds = array<i64: 1, 128, 30>}, {transform_indices = @transform_2, window_bounds = array<i64: 1, 512, 32>}, {transform_indices = @transform_3, window_bounds = array<i64: 1, 512, 32>}, {transform_indices = @transform_4, window_bounds = array<i64: 1, 128, 24>}, {pipeline_mode = #tpu.pipeline_mode<synchronous>, transform_indices = @transform_5, window_bounds = array<i64: 66, 16>}, {pipeline_mode = #tpu.pipeline_mode<synchronous>, transform_indices = @transform_6, window_bounds = array<i64: 1, 16>}, {pipeline_mode = #tpu.pipeline_mode<synchronous>, transform_indices = @transform_7, window_bounds = array<i64: 163, 128>}, {pipeline_mode = #tpu.pipeline_mode<synchronous>, transform_indices = @transform_8, window_bounds = array<i64: 163, 128>}, {pipeline_mode = #tpu.pipeline_mode<synchronous>, transform_indices = @transform_9, window_bounds = array<i64: 1, 128>}, {pipeline_mode = #tpu.pipeline_mode<synchronous>, transform_indices = @transform_10, window_bounds = array<i64: 1, 128>}, {transform_indices = @transform_11, window_bounds = array<i64: 1, 3840, 128>}]} {
    %get3A = arith.constant 0 : index
    %get3A_0 = arith.constant 0 : index
    %get3A_1 = arith.constant 0 : index
    %get3A_2 = vector.load %arg2[%get3A, %get3A_0, %get3A_1] : memref<1x128x30xi32, #tpu.memory_space<vmem>>, vector<1x128x30xi32>
    %get3A_3 = vector.shape_cast %get3A_2 : vector<1x128x30xi32> to vector<128x30xi32>
    %get3A_4 = arith.constant 0 : index
    %get3A_5 = arith.constant 0 : index
    %get3A_6 = arith.constant 0 : index
    %get3A_7 = vector.load %arg3[%get3A_4, %get3A_5, %get3A_6] : memref<1x128x30xf32, #tpu.memory_space<vmem>>, vector<1x128x30xf32>
    %get3A_8 = vector.shape_cast %get3A_7 : vector<1x128x30xf32> to vector<128x30xf32>
    %get3A_9 = arith.constant 0 : index
    %get3A_10 = arith.constant 0 : index
    %get3A_11 = arith.constant 0 : index
    %get3A_12 = vector.load %arg6[%get3A_9, %get3A_10, %get3A_11] : memref<1x128x24xf32, #tpu.memory_space<vmem>>, vector<1x128x24xf32>
    %get3A_13 = vector.shape_cast %get3A_12 : vector<1x128x24xf32> to vector<128x24xf32>
    %iota3A = tpu.iota {dimensions = array<i32: 0>} : vector<3840x1xi32>
    %jit3A = arith.constant 30 : i32
    %div3A = vector.broadcast %jit3A : i32 to vector<3840x1xi32>
    %div3A_14 = arith.divsi %iota3A, %div3A : vector<3840x1xi32>
    %sign3A = arith.constant 0 : i32
    %sign3A_15 = vector.broadcast %sign3A : i32 to vector<3840x1xi32>
    %sign3A_16 = arith.cmpi sgt, %iota3A, %sign3A_15 : vector<3840x1xi32>
    %sign3A_17 = arith.extui %sign3A_16 : vector<3840x1xi1> to vector<3840x1xi32>
    %sign3A_18 = arith.constant 0 : i32
    %sign3A_19 = vector.broadcast %sign3A_18 : i32 to vector<3840x1xi32>
    %sign3A_20 = arith.cmpi slt, %iota3A, %sign3A_19 : vector<3840x1xi32>
    %sign3A_21 = arith.extui %sign3A_20 : vector<3840x1xi1> to vector<3840x1xi32>
    %sign3A_22 = arith.subi %sign3A_17, %sign3A_21 : vector<3840x1xi32>
    %sign3A_23 = arith.constant 0 : i32
    %sign3A_24 = arith.cmpi sgt, %jit3A, %sign3A_23 : i32
    %sign3A_25 = arith.extui %sign3A_24 : i1 to i32
    %sign3A_26 = arith.constant 0 : i32
    %sign3A_27 = arith.cmpi slt, %jit3A, %sign3A_26 : i32
    %sign3A_28 = arith.extui %sign3A_27 : i1 to i32
    %sign3A_29 = arith.subi %sign3A_25, %sign3A_28 : i32
    %ne3A = vector.broadcast %sign3A_29 : i32 to vector<3840x1xi32>
    %ne3A_30 = arith.cmpi ne, %sign3A_22, %ne3A : vector<3840x1xi32>
    %rem3A = vector.broadcast %jit3A : i32 to vector<3840x1xi32>
    %rem3A_31 = arith.remsi %iota3A, %rem3A : vector<3840x1xi32>
    %ne3A_32 = arith.constant 0 : i32
    %ne3A_33 = vector.broadcast %ne3A_32 : i32 to vector<3840x1xi32>
    %ne3A_34 = arith.cmpi ne, %rem3A_31, %ne3A_33 : vector<3840x1xi32>
    %and3A = arith.andi %ne3A_30, %ne3A_34 : vector<3840x1xi1>
    %sub3A = arith.constant 1 : i32
    %sub3A_35 = vector.broadcast %sub3A : i32 to vector<3840x1xi32>
    %sub3A_36 = arith.subi %div3A_14, %sub3A_35 : vector<3840x1xi32>
    %select_n3A = arith.select %and3A, %sub3A_36, %div3A_14 : vector<3840x1xi1>, vector<3840x1xi32>
    %mul3A = arith.constant 30 : i32
    %mul3A_37 = vector.broadcast %mul3A : i32 to vector<3840x1xi32>
    %mul3A_38 = arith.muli %select_n3A, %mul3A_37 : vector<3840x1xi32>
    %sub3A_39 = arith.subi %iota3A, %mul3A_38 : vector<3840x1xi32>
    %iota3A_40 = tpu.iota {dimensions = array<i32: 1>} : vector<3840x128xi32>
    %eq3A = vector.broadcast %select_n3A : vector<3840x1xi32> to vector<3840x128xi32>
    %eq3A_41 = arith.cmpi eq, %iota3A_40, %eq3A : vector<3840x128xi32>
    %convert_element_type3A = arith.extui %eq3A_41 : vector<3840x128xi1> to vector<3840x128xi32>
    %convert_element_type3A_42 = arith.sitofp %convert_element_type3A : vector<3840x128xi32> to vector<3840x128xf32>
    %iota3A_43 = tpu.iota {dimensions = array<i32: 1>} : vector<3840x30xi32>
    %eq3A_44 = vector.broadcast %sub3A_39 : vector<3840x1xi32> to vector<3840x30xi32>
    %eq3A_45 = arith.cmpi eq, %iota3A_43, %eq3A_44 : vector<3840x30xi32>
    %convert_element_type3A_46 = arith.extui %eq3A_45 : vector<3840x30xi1> to vector<3840x30xi32>
    %convert_element_type3A_47 = arith.sitofp %convert_element_type3A_46 : vector<3840x30xi32> to vector<3840x30xf32>
    %convert_element_type3A_48 = arith.sitofp %get3A_3 : vector<128x30xi32> to vector<128x30xf32>
    %dot_general3A = arith.constant dense<0.000000e+00> : vector<3840x30xf32>
    %dot_general3A_49 = tpu.matmul %convert_element_type3A_42, %convert_element_type3A_48, %dot_general3A {dimension_numbers = #tpu.dot_dimension_numbers<[1], [0], [0], [1], [0, 0, 1, 1], [], []>, precision = #tpu.contract_precision<fp32>, transpose_lhs_hint = false} : vector<3840x128xf32>, vector<128x30xf32>, vector<3840x30xf32> -> vector<3840x30xf32>
    %mul3A_50 = arith.mulf %dot_general3A_49, %convert_element_type3A_47 : vector<3840x30xf32>
    %reduce_sum3A = arith.constant dense<0.000000e+00> : vector<3840xf32>
    %reduce_sum3A_51 = vector.multi_reduction <add>, %mul3A_50, %reduce_sum3A [1] : vector<3840x30xf32> to vector<3840xf32>
    %broadcast_in_dim3A = vector.shape_cast %reduce_sum3A_51 : vector<3840xf32> to vector<3840x1xf32>
    %dot_general3A_52 = arith.constant dense<0.000000e+00> : vector<3840x30xf32>
    %dot_general3A_53 = tpu.matmul %convert_element_type3A_42, %get3A_8, %dot_general3A_52 {dimension_numbers = #tpu.dot_dimension_numbers<[1], [0], [0], [1], [0, 0, 1, 1], [], []>, precision = #tpu.contract_precision<fp32>, transpose_lhs_hint = false} : vector<3840x128xf32>, vector<128x30xf32>, vector<3840x30xf32> -> vector<3840x30xf32>
    %mul3A_54 = arith.mulf %dot_general3A_53, %convert_element_type3A_47 : vector<3840x30xf32>
    %reduce_sum3A_55 = arith.constant dense<0.000000e+00> : vector<3840xf32>
    %reduce_sum3A_56 = vector.multi_reduction <add>, %mul3A_54, %reduce_sum3A_55 [1] : vector<3840x30xf32> to vector<3840xf32>
    %broadcast_in_dim3A_57 = vector.shape_cast %reduce_sum3A_56 : vector<3840xf32> to vector<3840x1xf32>
    %convert_element_type3A_58 = arith.fptosi %broadcast_in_dim3A : vector<3840x1xf32> to vector<3840x1xi32>
    %iota3A_59 = tpu.iota {dimensions = array<i32: 1>} : vector<3840x512xi32>
    %eq3A_60 = vector.broadcast %convert_element_type3A_58 : vector<3840x1xi32> to vector<3840x512xi32>
    %eq3A_61 = arith.cmpi eq, %iota3A_59, %eq3A_60 : vector<3840x512xi32>
    %convert_element_type3A_62 = arith.extui %eq3A_61 : vector<3840x512xi1> to vector<3840x512xi32>
    %convert_element_type3A_63 = arith.sitofp %convert_element_type3A_62 : vector<3840x512xi32> to vector<3840x512xf32>
    %convert_element_type3A_64 = arith.truncf %convert_element_type3A_63 : vector<3840x512xf32> to vector<3840x512xbf16>
    %get3A_65 = arith.constant 0 : index
    %get3A_66 = arith.constant 0 : index
    %get3A_67 = arith.constant 0 : index
    %get3A_68 = vector.load %arg4[%get3A_65, %get3A_66, %get3A_67] : memref<1x512x32xbf16, #tpu.memory_space<vmem>>, vector<1x512x32xbf16>
    %get3A_69 = vector.shape_cast %get3A_68 : vector<1x512x32xbf16> to vector<512x32xbf16>
    %dot_general3A_70 = arith.constant dense<0.000000e+00> : vector<3840x32xf32>
    %dot_general3A_71 = tpu.matmul %convert_element_type3A_64, %get3A_69, %dot_general3A_70 {dimension_numbers = #tpu.dot_dimension_numbers<[1], [0], [0], [1], [0, 0, 1, 1], [], []>, transpose_lhs_hint = false} : vector<3840x512xbf16>, vector<512x32xbf16>, vector<3840x32xf32> -> vector<3840x32xf32>
    %get3A_72 = arith.constant 0 : index
    %get3A_73 = arith.constant 0 : index
    %get3A_74 = arith.constant 0 : index
    %get3A_75 = vector.load %arg5[%get3A_72, %get3A_73, %get3A_74] : memref<1x512x32xbf16, #tpu.memory_space<vmem>>, vector<1x512x32xbf16>
    %get3A_76 = vector.shape_cast %get3A_75 : vector<1x512x32xbf16> to vector<512x32xbf16>
    %dot_general3A_77 = arith.constant dense<0.000000e+00> : vector<3840x32xf32>
    %dot_general3A_78 = tpu.matmul %convert_element_type3A_64, %get3A_76, %dot_general3A_77 {dimension_numbers = #tpu.dot_dimension_numbers<[1], [0], [0], [1], [0, 0, 1, 1], [], []>, transpose_lhs_hint = false} : vector<3840x512xbf16>, vector<512x32xbf16>, vector<3840x32xf32> -> vector<3840x32xf32>
    %add3A = arith.addf %dot_general3A_71, %dot_general3A_78 : vector<3840x32xf32>
    %dot_general3A_79 = arith.constant dense<0.000000e+00> : vector<3840x24xf32>
    %dot_general3A_80 = tpu.matmul %convert_element_type3A_42, %get3A_13, %dot_general3A_79 {dimension_numbers = #tpu.dot_dimension_numbers<[1], [0], [0], [1], [0, 0, 1, 1], [], []>, precision = #tpu.contract_precision<fp32>, transpose_lhs_hint = false} : vector<3840x128xf32>, vector<128x24xf32>, vector<3840x24xf32> -> vector<3840x24xf32>
    %slice3A = vector.extract_strided_slice %add3A {offsets = [0, 0], sizes = [3840, 24], strides = [1, 1]} : vector<3840x32xf32> to vector<3840x24xf32>
    %sub3A_81 = arith.subf %dot_general3A_80, %slice3A : vector<3840x24xf32>
    %mul3A_82 = arith.mulf %sub3A_81, %sub3A_81 : vector<3840x24xf32>
    %iota3A_83 = tpu.iota {dimensions = array<i32: 0>} : vector<24x8xi32>
    %jit3A_84 = arith.constant 3 : i32
    %div3A_85 = vector.broadcast %jit3A_84 : i32 to vector<24x8xi32>
    %div3A_86 = arith.divsi %iota3A_83, %div3A_85 : vector<24x8xi32>
    %sign3A_87 = arith.constant 0 : i32
    %sign3A_88 = vector.broadcast %sign3A_87 : i32 to vector<24x8xi32>
    %sign3A_89 = arith.cmpi sgt, %iota3A_83, %sign3A_88 : vector<24x8xi32>
    %sign3A_90 = arith.extui %sign3A_89 : vector<24x8xi1> to vector<24x8xi32>
    %sign3A_91 = arith.constant 0 : i32
    %sign3A_92 = vector.broadcast %sign3A_91 : i32 to vector<24x8xi32>
    %sign3A_93 = arith.cmpi slt, %iota3A_83, %sign3A_92 : vector<24x8xi32>
    %sign3A_94 = arith.extui %sign3A_93 : vector<24x8xi1> to vector<24x8xi32>
    %sign3A_95 = arith.subi %sign3A_90, %sign3A_94 : vector<24x8xi32>
    %sign3A_96 = arith.constant 0 : i32
    %sign3A_97 = arith.cmpi sgt, %jit3A_84, %sign3A_96 : i32
    %sign3A_98 = arith.extui %sign3A_97 : i1 to i32
    %sign3A_99 = arith.constant 0 : i32
    %sign3A_100 = arith.cmpi slt, %jit3A_84, %sign3A_99 : i32
    %sign3A_101 = arith.extui %sign3A_100 : i1 to i32
    %sign3A_102 = arith.subi %sign3A_98, %sign3A_101 : i32
    %ne3A_103 = vector.broadcast %sign3A_102 : i32 to vector<24x8xi32>
    %ne3A_104 = arith.cmpi ne, %sign3A_95, %ne3A_103 : vector<24x8xi32>
    %rem3A_105 = vector.broadcast %jit3A_84 : i32 to vector<24x8xi32>
    %rem3A_106 = arith.remsi %iota3A_83, %rem3A_105 : vector<24x8xi32>
    %ne3A_107 = arith.constant 0 : i32
    %ne3A_108 = vector.broadcast %ne3A_107 : i32 to vector<24x8xi32>
    %ne3A_109 = arith.cmpi ne, %rem3A_106, %ne3A_108 : vector<24x8xi32>
    %and3A_110 = arith.andi %ne3A_104, %ne3A_109 : vector<24x8xi1>
    %sub3A_111 = arith.constant 1 : i32
    %sub3A_112 = vector.broadcast %sub3A_111 : i32 to vector<24x8xi32>
    %sub3A_113 = arith.subi %div3A_86, %sub3A_112 : vector<24x8xi32>
    %select_n3A_114 = arith.select %and3A_110, %sub3A_113, %div3A_86 : vector<24x8xi1>, vector<24x8xi32>
    %iota3A_115 = tpu.iota {dimensions = array<i32: 1>} : vector<24x8xi32>
    %eq3A_116 = arith.cmpi eq, %select_n3A_114, %iota3A_115 : vector<24x8xi32>
    %convert_element_type3A_117 = arith.extui %eq3A_116 : vector<24x8xi1> to vector<24x8xi32>
    %convert_element_type3A_118 = arith.sitofp %convert_element_type3A_117 : vector<24x8xi32> to vector<24x8xf32>
    %convert_element_type3A_119 = arith.truncf %convert_element_type3A_118 : vector<24x8xf32> to vector<24x8xbf16>
    %convert_element_type3A_120 = arith.truncf %mul3A_82 : vector<3840x24xf32> to vector<3840x24xbf16>
    %convert_element_type3A_121 = arith.extf %convert_element_type3A_120 : vector<3840x24xbf16> to vector<3840x24xf32>
    %sub3A_122 = arith.subf %mul3A_82, %convert_element_type3A_121 : vector<3840x24xf32>
    %convert_element_type3A_123 = arith.truncf %sub3A_122 : vector<3840x24xf32> to vector<3840x24xbf16>
    %dot_general3A_124 = arith.constant dense<0.000000e+00> : vector<3840x8xf32>
    %dot_general3A_125 = tpu.matmul %convert_element_type3A_120, %convert_element_type3A_119, %dot_general3A_124 {dimension_numbers = #tpu.dot_dimension_numbers<[1], [0], [0], [1], [0, 0, 1, 1], [], []>, transpose_lhs_hint = false} : vector<3840x24xbf16>, vector<24x8xbf16>, vector<3840x8xf32> -> vector<3840x8xf32>
    %dot_general3A_126 = arith.constant dense<0.000000e+00> : vector<3840x8xf32>
    %dot_general3A_127 = tpu.matmul %convert_element_type3A_123, %convert_element_type3A_119, %dot_general3A_126 {dimension_numbers = #tpu.dot_dimension_numbers<[1], [0], [0], [1], [0, 0, 1, 1], [], []>, transpose_lhs_hint = false} : vector<3840x24xbf16>, vector<24x8xbf16>, vector<3840x8xf32> -> vector<3840x8xf32>
    %add3A_128 = arith.addf %dot_general3A_125, %dot_general3A_127 : vector<3840x8xf32>
    %add3A_129 = arith.constant 9.99999997E-7 : f32
    %add3A_130 = vector.broadcast %add3A_129 : f32 to vector<3840x8xf32>
    %add3A_131 = arith.addf %add3A_128, %add3A_130 : vector<3840x8xf32>
    %sqrt3A = math.sqrt %add3A_131 : vector<3840x8xf32>
    %concatenate3A = tpu.concatenate %broadcast_in_dim3A_57, %sqrt3A in 1 : vector<3840x1xf32>, vector<3840x8xf32> -> vector<3840x9xf32>
    %iota3A_132 = tpu.iota {dimensions = array<i32: 1>} : vector<9x144xi32>
    %jit3A_133 = arith.constant 16 : i32
    %div3A_134 = vector.broadcast %jit3A_133 : i32 to vector<9x144xi32>
    %div3A_135 = arith.divsi %iota3A_132, %div3A_134 : vector<9x144xi32>
    %sign3A_136 = arith.constant 0 : i32
    %sign3A_137 = vector.broadcast %sign3A_136 : i32 to vector<9x144xi32>
    %sign3A_138 = arith.cmpi sgt, %iota3A_132, %sign3A_137 : vector<9x144xi32>
    %sign3A_139 = arith.extui %sign3A_138 : vector<9x144xi1> to vector<9x144xi32>
    %sign3A_140 = arith.constant 0 : i32
    %sign3A_141 = vector.broadcast %sign3A_140 : i32 to vector<9x144xi32>
    %sign3A_142 = arith.cmpi slt, %iota3A_132, %sign3A_141 : vector<9x144xi32>
    %sign3A_143 = arith.extui %sign3A_142 : vector<9x144xi1> to vector<9x144xi32>
    %sign3A_144 = arith.subi %sign3A_139, %sign3A_143 : vector<9x144xi32>
    %sign3A_145 = arith.constant 0 : i32
    %sign3A_146 = arith.cmpi sgt, %jit3A_133, %sign3A_145 : i32
    %sign3A_147 = arith.extui %sign3A_146 : i1 to i32
    %sign3A_148 = arith.constant 0 : i32
    %sign3A_149 = arith.cmpi slt, %jit3A_133, %sign3A_148 : i32
    %sign3A_150 = arith.extui %sign3A_149 : i1 to i32
    %sign3A_151 = arith.subi %sign3A_147, %sign3A_150 : i32
    %ne3A_152 = vector.broadcast %sign3A_151 : i32 to vector<9x144xi32>
    %ne3A_153 = arith.cmpi ne, %sign3A_144, %ne3A_152 : vector<9x144xi32>
    %rem3A_154 = vector.broadcast %jit3A_133 : i32 to vector<9x144xi32>
    %rem3A_155 = arith.remsi %iota3A_132, %rem3A_154 : vector<9x144xi32>
    %ne3A_156 = arith.constant 0 : i32
    %ne3A_157 = vector.broadcast %ne3A_156 : i32 to vector<9x144xi32>
    %ne3A_158 = arith.cmpi ne, %rem3A_155, %ne3A_157 : vector<9x144xi32>
    %and3A_159 = arith.andi %ne3A_153, %ne3A_158 : vector<9x144xi1>
    %sub3A_160 = arith.constant 1 : i32
    %sub3A_161 = vector.broadcast %sub3A_160 : i32 to vector<9x144xi32>
    %sub3A_162 = arith.subi %div3A_135, %sub3A_161 : vector<9x144xi32>
    %select_n3A_163 = arith.select %and3A_159, %sub3A_162, %div3A_135 : vector<9x144xi1>, vector<9x144xi32>
    %iota3A_164 = tpu.iota {dimensions = array<i32: 0>} : vector<9x144xi32>
    %eq3A_165 = arith.cmpi eq, %select_n3A_163, %iota3A_164 : vector<9x144xi32>
    %convert_element_type3A_166 = arith.extui %eq3A_165 : vector<9x144xi1> to vector<9x144xi32>
    %convert_element_type3A_167 = arith.sitofp %convert_element_type3A_166 : vector<9x144xi32> to vector<9x144xf32>
    %convert_element_type3A_168 = arith.truncf %convert_element_type3A_167 : vector<9x144xf32> to vector<9x144xbf16>
    %convert_element_type3A_169 = arith.truncf %concatenate3A : vector<3840x9xf32> to vector<3840x9xbf16>
    %convert_element_type3A_170 = arith.extf %convert_element_type3A_169 : vector<3840x9xbf16> to vector<3840x9xf32>
    %sub3A_171 = arith.subf %concatenate3A, %convert_element_type3A_170 : vector<3840x9xf32>
    %convert_element_type3A_172 = arith.truncf %sub3A_171 : vector<3840x9xf32> to vector<3840x9xbf16>
    %dot_general3A_173 = arith.constant dense<0.000000e+00> : vector<3840x144xf32>
    %dot_general3A_174 = tpu.matmul %convert_element_type3A_169, %convert_element_type3A_168, %dot_general3A_173 {dimension_numbers = #tpu.dot_dimension_numbers<[1], [0], [0], [1], [0, 0, 1, 1], [], []>, transpose_lhs_hint = false} : vector<3840x9xbf16>, vector<9x144xbf16>, vector<3840x144xf32> -> vector<3840x144xf32>
    %dot_general3A_175 = arith.constant dense<0.000000e+00> : vector<3840x144xf32>
    %dot_general3A_176 = tpu.matmul %convert_element_type3A_172, %convert_element_type3A_168, %dot_general3A_175 {dimension_numbers = #tpu.dot_dimension_numbers<[1], [0], [0], [1], [0, 0, 1, 1], [], []>, transpose_lhs_hint = false} : vector<3840x9xbf16>, vector<9x144xbf16>, vector<3840x144xf32> -> vector<3840x144xf32>
    %add3A_177 = arith.addf %dot_general3A_174, %dot_general3A_176 : vector<3840x144xf32>
    %iota3A_178 = tpu.iota {dimensions = array<i32: 1>} : vector<1x144xi32>
    %jit3A_179 = arith.constant 16 : i32
    %div3A_180 = vector.broadcast %jit3A_179 : i32 to vector<1x144xi32>
    %div3A_181 = arith.divsi %iota3A_178, %div3A_180 : vector<1x144xi32>
    %sign3A_182 = arith.constant 0 : i32
    %sign3A_183 = vector.broadcast %sign3A_182 : i32 to vector<1x144xi32>
    %sign3A_184 = arith.cmpi sgt, %iota3A_178, %sign3A_183 : vector<1x144xi32>
    %sign3A_185 = arith.extui %sign3A_184 : vector<1x144xi1> to vector<1x144xi32>
    %sign3A_186 = arith.constant 0 : i32
    %sign3A_187 = vector.broadcast %sign3A_186 : i32 to vector<1x144xi32>
    %sign3A_188 = arith.cmpi slt, %iota3A_178, %sign3A_187 : vector<1x144xi32>
    %sign3A_189 = arith.extui %sign3A_188 : vector<1x144xi1> to vector<1x144xi32>
    %sign3A_190 = arith.subi %sign3A_185, %sign3A_189 : vector<1x144xi32>
    %sign3A_191 = arith.constant 0 : i32
    %sign3A_192 = arith.cmpi sgt, %jit3A_179, %sign3A_191 : i32
    %sign3A_193 = arith.extui %sign3A_192 : i1 to i32
    %sign3A_194 = arith.constant 0 : i32
    %sign3A_195 = arith.cmpi slt, %jit3A_179, %sign3A_194 : i32
    %sign3A_196 = arith.extui %sign3A_195 : i1 to i32
    %sign3A_197 = arith.subi %sign3A_193, %sign3A_196 : i32
    %ne3A_198 = vector.broadcast %sign3A_197 : i32 to vector<1x144xi32>
    %ne3A_199 = arith.cmpi ne, %sign3A_190, %ne3A_198 : vector<1x144xi32>
    %rem3A_200 = vector.broadcast %jit3A_179 : i32 to vector<1x144xi32>
    %rem3A_201 = arith.remsi %iota3A_178, %rem3A_200 : vector<1x144xi32>
    %ne3A_202 = arith.constant 0 : i32
    %ne3A_203 = vector.broadcast %ne3A_202 : i32 to vector<1x144xi32>
    %ne3A_204 = arith.cmpi ne, %rem3A_201, %ne3A_203 : vector<1x144xi32>
    %and3A_205 = arith.andi %ne3A_199, %ne3A_204 : vector<1x144xi1>
    %sub3A_206 = arith.constant 1 : i32
    %sub3A_207 = vector.broadcast %sub3A_206 : i32 to vector<1x144xi32>
    %sub3A_208 = arith.subi %div3A_181, %sub3A_207 : vector<1x144xi32>
    %select_n3A_209 = arith.select %and3A_205, %sub3A_208, %div3A_181 : vector<1x144xi1>, vector<1x144xi32>
    %mul3A_210 = arith.constant 16 : i32
    %mul3A_211 = vector.broadcast %mul3A_210 : i32 to vector<1x144xi32>
    %mul3A_212 = arith.muli %mul3A_211, %select_n3A_209 : vector<1x144xi32>
    %sub3A_213 = arith.subi %iota3A_178, %mul3A_212 : vector<1x144xi32>
    %convert_element_type3A_214 = arith.sitofp %sub3A_213 : vector<1x144xi32> to vector<1x144xf32>
    %mul3A_215 = arith.constant 1.33333337 : f32
    %mul3A_216 = vector.broadcast %mul3A_215 : f32 to vector<1x144xf32>
    %mul3A_217 = arith.mulf %convert_element_type3A_214, %mul3A_216 : vector<1x144xf32>
    %add3A_218 = arith.constant 2.000000e+00 : f32
    %add3A_219 = vector.broadcast %add3A_218 : f32 to vector<1x144xf32>
    %add3A_220 = arith.addf %add3A_219, %mul3A_217 : vector<1x144xf32>
    %sub3A_221 = vector.broadcast %add3A_220 : vector<1x144xf32> to vector<3840x144xf32>
    %sub3A_222 = arith.subf %add3A_177, %sub3A_221 : vector<3840x144xf32>
    %div3A_223 = arith.constant 1.250000e+00 : f32
    %div3A_224 = vector.broadcast %div3A_223 : f32 to vector<3840x144xf32>
    %div3A_225 = arith.divf %sub3A_222, %div3A_224 : vector<3840x144xf32>
    %integer_pow3A = arith.mulf %div3A_225, %div3A_225 : vector<3840x144xf32>
    %neg3A = arith.constant 0.000000e+00 : f32
    %neg3A_226 = vector.broadcast %neg3A : f32 to vector<3840x144xf32>
    %neg3A_227 = arith.subf %neg3A_226, %integer_pow3A : vector<3840x144xf32>
    %exp3A = math.exp %neg3A_227 : vector<3840x144xf32>
    %mul3A_228 = arith.constant 128 : i32
    %mul3A_229 = arith.muli %arg1, %mul3A_228 : i32
    %add3A_230 = vector.broadcast %mul3A_229 : i32 to vector<3840x1xi32>
    %add3A_231 = arith.addi %add3A_230, %select_n3A : vector<3840x1xi32>
    %sub3A_232 = arith.subi %add3A_231, %convert_element_type3A_58 : vector<3840x1xi32>
    %add3A_233 = arith.constant 32 : i32
    %add3A_234 = vector.broadcast %add3A_233 : i32 to vector<3840x1xi32>
    %add3A_235 = arith.addi %sub3A_232, %add3A_234 : vector<3840x1xi32>
    %jit3A_236 = arith.constant 0 : i32
    %jit3A_237 = arith.constant 64 : i32
    %max3A = vector.broadcast %jit3A_236 : i32 to vector<3840x1xi32>
    %max3A_238 = arith.maxsi %max3A, %add3A_235 : vector<3840x1xi32>
    %min3A = vector.broadcast %jit3A_237 : i32 to vector<3840x1xi32>
    %min3A_239 = arith.minsi %min3A, %max3A_238 : vector<3840x1xi32>
    %iota3A_240 = tpu.iota {dimensions = array<i32: 1>} : vector<3840x66xi32>
    %eq3A_241 = vector.broadcast %min3A_239 : vector<3840x1xi32> to vector<3840x66xi32>
    %eq3A_242 = arith.cmpi eq, %iota3A_240, %eq3A_241 : vector<3840x66xi32>
    %convert_element_type3A_243 = arith.extui %eq3A_242 : vector<3840x66xi1> to vector<3840x66xi32>
    %convert_element_type3A_244 = arith.sitofp %convert_element_type3A_243 : vector<3840x66xi32> to vector<3840x66xf32>
    %get3A_245 = arith.constant 0 : index
    %get3A_246 = arith.constant 0 : index
    %get3A_247 = vector.load %arg7[%get3A_245, %get3A_246] : memref<66x16xf32, #tpu.memory_space<vmem>>, vector<66x16xf32>
    %dot_general3A_248 = arith.constant dense<0.000000e+00> : vector<3840x16xf32>
    %dot_general3A_249 = tpu.matmul %convert_element_type3A_244, %get3A_247, %dot_general3A_248 {dimension_numbers = #tpu.dot_dimension_numbers<[1], [0], [0], [1], [0, 0, 1, 1], [], []>, precision = #tpu.contract_precision<fp32>, transpose_lhs_hint = false} : vector<3840x66xf32>, vector<66x16xf32>, vector<3840x16xf32> -> vector<3840x16xf32>
    %get3A_250 = arith.constant 0 : index
    %get3A_251 = arith.constant 0 : index
    %get3A_252 = vector.load %arg8[%get3A_250, %get3A_251] : memref<1x16xf32, #tpu.memory_space<vmem>>, vector<1x16xf32>
    %add3A_253 = vector.broadcast %get3A_252 : vector<1x16xf32> to vector<3840x16xf32>
    %add3A_254 = arith.addf %dot_general3A_249, %add3A_253 : vector<3840x16xf32>
    %slice3A_255 = vector.extract_strided_slice %add3A {offsets = [0, 24], sizes = [3840, 3], strides = [1, 1]} : vector<3840x32xf32> to vector<3840x3xf32>
    %concatenate3A_256 = tpu.concatenate %add3A_254, %exp3A, %slice3A_255 in 1 : vector<3840x16xf32>, vector<3840x144xf32>, vector<3840x3xf32> -> vector<3840x163xf32>
    %convert_element_type3A_257 = arith.truncf %concatenate3A_256 : vector<3840x163xf32> to vector<3840x163xbf16>
    %convert_element_type3A_258 = arith.extf %convert_element_type3A_257 : vector<3840x163xbf16> to vector<3840x163xf32>
    %sub3A_259 = arith.subf %concatenate3A_256, %convert_element_type3A_258 : vector<3840x163xf32>
    %convert_element_type3A_260 = arith.truncf %sub3A_259 : vector<3840x163xf32> to vector<3840x163xbf16>
    %get3A_261 = arith.constant 0 : index
    %get3A_262 = arith.constant 0 : index
    %get3A_263 = vector.load %arg9[%get3A_261, %get3A_262] : memref<163x128xbf16, #tpu.memory_space<vmem>>, vector<163x128xbf16>
    %dot_general3A_264 = arith.constant dense<0.000000e+00> : vector<3840x128xf32>
    %dot_general3A_265 = tpu.matmul %convert_element_type3A_257, %get3A_263, %dot_general3A_264 {dimension_numbers = #tpu.dot_dimension_numbers<[1], [0], [0], [1], [0, 0, 1, 1], [], []>, transpose_lhs_hint = false} : vector<3840x163xbf16>, vector<163x128xbf16>, vector<3840x128xf32> -> vector<3840x128xf32>
    %get3A_266 = arith.constant 0 : index
    %get3A_267 = arith.constant 0 : index
    %get3A_268 = vector.load %arg10[%get3A_266, %get3A_267] : memref<163x128xbf16, #tpu.memory_space<vmem>>, vector<163x128xbf16>
    %dot_general3A_269 = arith.constant dense<0.000000e+00> : vector<3840x128xf32>
    %dot_general3A_270 = tpu.matmul %convert_element_type3A_257, %get3A_268, %dot_general3A_269 {dimension_numbers = #tpu.dot_dimension_numbers<[1], [0], [0], [1], [0, 0, 1, 1], [], []>, transpose_lhs_hint = false} : vector<3840x163xbf16>, vector<163x128xbf16>, vector<3840x128xf32> -> vector<3840x128xf32>
    %get3A_271 = arith.constant 0 : index
    %get3A_272 = arith.constant 0 : index
    %get3A_273 = vector.load %arg9[%get3A_271, %get3A_272] : memref<163x128xbf16, #tpu.memory_space<vmem>>, vector<163x128xbf16>
    %dot_general3A_274 = arith.constant dense<0.000000e+00> : vector<3840x128xf32>
    %dot_general3A_275 = tpu.matmul %convert_element_type3A_260, %get3A_273, %dot_general3A_274 {dimension_numbers = #tpu.dot_dimension_numbers<[1], [0], [0], [1], [0, 0, 1, 1], [], []>, transpose_lhs_hint = false} : vector<3840x163xbf16>, vector<163x128xbf16>, vector<3840x128xf32> -> vector<3840x128xf32>
    %add3A_276 = arith.addf %dot_general3A_270, %dot_general3A_275 : vector<3840x128xf32>
    %add3A_277 = arith.addf %dot_general3A_265, %add3A_276 : vector<3840x128xf32>
    %reduce_sum3A_278 = arith.constant dense<0.000000e+00> : vector<3840xf32>
    %reduce_sum3A_279 = vector.multi_reduction <add>, %add3A_277, %reduce_sum3A_278 [1] : vector<3840x128xf32> to vector<3840xf32>
    %broadcast_in_dim3A_280 = vector.shape_cast %reduce_sum3A_279 : vector<3840xf32> to vector<3840x1xf32>
    %div3A_281 = arith.constant 1.280000e+02 : f32
    %div3A_282 = vector.broadcast %div3A_281 : f32 to vector<3840x1xf32>
    %div3A_283 = arith.divf %broadcast_in_dim3A_280, %div3A_282 : vector<3840x1xf32>
    %sub3A_284 = vector.broadcast %div3A_283 : vector<3840x1xf32> to vector<3840x128xf32>
    %sub3A_285 = arith.subf %add3A_277, %sub3A_284 : vector<3840x128xf32>
    %mul3A_286 = arith.mulf %sub3A_285, %sub3A_285 : vector<3840x128xf32>
    %reduce_sum3A_287 = arith.constant dense<0.000000e+00> : vector<3840xf32>
    %reduce_sum3A_288 = vector.multi_reduction <add>, %mul3A_286, %reduce_sum3A_287 [1] : vector<3840x128xf32> to vector<3840xf32>
    %broadcast_in_dim3A_289 = vector.shape_cast %reduce_sum3A_288 : vector<3840xf32> to vector<3840x1xf32>
    %div3A_290 = arith.constant 1.280000e+02 : f32
    %div3A_291 = vector.broadcast %div3A_290 : f32 to vector<3840x1xf32>
    %div3A_292 = arith.divf %broadcast_in_dim3A_289, %div3A_291 : vector<3840x1xf32>
    %add3A_293 = arith.constant 9.99999974E-6 : f32
    %add3A_294 = vector.broadcast %add3A_293 : f32 to vector<3840x1xf32>
    %add3A_295 = arith.addf %div3A_292, %add3A_294 : vector<3840x1xf32>
    %sqrt3A_296 = math.sqrt %add3A_295 : vector<3840x1xf32>
    %div3A_297 = vector.broadcast %sqrt3A_296 : vector<3840x1xf32> to vector<3840x128xf32>
    %div3A_298 = arith.divf %sub3A_285, %div3A_297 : vector<3840x128xf32>
    %get3A_299 = arith.constant 0 : index
    %get3A_300 = arith.constant 0 : index
    %get3A_301 = vector.load %arg11[%get3A_299, %get3A_300] : memref<1x128xf32, #tpu.memory_space<vmem>>, vector<1x128xf32>
    %mul3A_302 = vector.broadcast %get3A_301 : vector<1x128xf32> to vector<3840x128xf32>
    %mul3A_303 = arith.mulf %div3A_298, %mul3A_302 : vector<3840x128xf32>
    %get3A_304 = arith.constant 0 : index
    %get3A_305 = arith.constant 0 : index
    %get3A_306 = vector.load %arg12[%get3A_304, %get3A_305] : memref<1x128xf32, #tpu.memory_space<vmem>>, vector<1x128xf32>
    %add3A_307 = vector.broadcast %get3A_306 : vector<1x128xf32> to vector<3840x128xf32>
    %add3A_308 = arith.addf %mul3A_303, %add3A_307 : vector<3840x128xf32>
    %swap3A = arith.constant 0 : index
    %swap3A_309 = arith.constant 0 : index
    %swap3A_310 = arith.constant 0 : index
    %swap3A_311 = vector.load %arg13[%swap3A, %swap3A_309, %swap3A_310] : memref<1x3840x128xf32, #tpu.memory_space<vmem>>, vector<1x3840x128xf32>
    %swap3A_312 = vector.shape_cast %swap3A_311 : vector<1x3840x128xf32> to vector<3840x128xf32>
    %swap3A_313 = vector.shape_cast %add3A_308 : vector<3840x128xf32> to vector<1x3840x128xf32>
    tpu.vector_store %arg13[%swap3A, %swap3A_309, %swap3A_310], %swap3A_313 {strides = array<i32>} : memref<1x3840x128xf32, #tpu.memory_space<vmem>>, vector<1x3840x128xf32>,
    return
  }
  func.func @transform_0(%arg0: i32, %arg1: i32) -> (i32, i32, i32) {
    %c0_i32 = arith.constant 0 : i32
    %c0_i32_0 = arith.constant 0 : i32
    return %arg0, %arg1, %c0_i32 : i32, i32, i32
  }
  func.func @transform_1(%arg0: i32, %arg1: i32) -> (i32, i32, i32) {
    %c0_i32 = arith.constant 0 : i32
    %c0_i32_0 = arith.constant 0 : i32
    return %arg0, %arg1, %c0_i32 : i32, i32, i32
  }
  func.func @transform_2(%arg0: i32, %arg1: i32) -> (i32, i32, i32) {
    %c0_i32 = arith.constant 0 : i32
    %c0_i32_0 = arith.constant 0 : i32
    %c0_i32_1 = arith.constant 0 : i32
    return %arg0, %c0_i32, %c0_i32_0 : i32, i32, i32
  }
  func.func @transform_3(%arg0: i32, %arg1: i32) -> (i32, i32, i32) {
    %c0_i32 = arith.constant 0 : i32
    %c0_i32_0 = arith.constant 0 : i32
    %c0_i32_1 = arith.constant 0 : i32
    return %arg0, %c0_i32, %c0_i32_0 : i32, i32, i32
  }
  func.func @transform_4(%arg0: i32, %arg1: i32) -> (i32, i32, i32) {
    %c0_i32 = arith.constant 0 : i32
    %c0_i32_0 = arith.constant 0 : i32
    return %arg0, %arg1, %c0_i32 : i32, i32, i32
  }
  func.func @transform_5(%arg0: i32, %arg1: i32) -> (i32, i32) {
    %c0_i32 = arith.constant 0 : i32
    %c0_i32_0 = arith.constant 0 : i32
    %c0_i32_1 = arith.constant 0 : i32
    return %c0_i32, %c0_i32_0 : i32, i32
  }
  func.func @transform_6(%arg0: i32, %arg1: i32) -> (i32, i32) {
    %c0_i32 = arith.constant 0 : i32
    %c0_i32_0 = arith.constant 0 : i32
    %c0_i32_1 = arith.constant 0 : i32
    return %c0_i32, %c0_i32_0 : i32, i32
  }
  func.func @transform_7(%arg0: i32, %arg1: i32) -> (i32, i32) {
    %c0_i32 = arith.constant 0 : i32
    %c0_i32_0 = arith.constant 0 : i32
    %c0_i32_1 = arith.constant 0 : i32
    return %c0_i32, %c0_i32_0 : i32, i32
  }
  func.func @transform_8(%arg0: i32, %arg1: i32) -> (i32, i32) {
    %c0_i32 = arith.constant 0 : i32
    %c0_i32_0 = arith.constant 0 : i32
    %c0_i32_1 = arith.constant 0 : i32
    return %c0_i32, %c0_i32_0 : i32, i32
  }
  func.func @transform_9(%arg0: i32, %arg1: i32) -> (i32, i32) {
    %c0_i32 = arith.constant 0 : i32
    %c0_i32_0 = arith.constant 0 : i32
    %c0_i32_1 = arith.constant 0 : i32
    return %c0_i32, %c0_i32_0 : i32, i32
  }
  func.func @transform_10(%arg0: i32, %arg1: i32) -> (i32, i32) {
    %c0_i32 = arith.constant 0 : i32
    %c0_i32_0 = arith.constant 0 : i32
    %c0_i32_1 = arith.constant 0 : i32
    return %c0_i32, %c0_i32_0 : i32, i32
  }
  func.func @transform_11(%arg0: i32, %arg1: i32) -> (i32, i32, i32) {
    %c0_i32 = arith.constant 0 : i32
    %c0_i32_0 = arith.constant 0 : i32
    return %arg0, %arg1, %c0_i32 : i32, i32, i32
  }
}

</mosaic_0001>

<sc_bundles>
// kernel: sparse-core-data-format-call.cloned.1.call-start
scs
called_computation_lowered:
.L_overlay_start_0:
0x0: {  	s2 =	sld [smem:$0x3FD9]  }
0x1: {  	s3 =	sld [smem:$0x3FFE];
	_ =	sdelay $0x1  }
0x2: {  	s1 =	srdreg.scid  }
0x3: {  	s0 =	sand.u32 $0x1, s1  }
0x4: {  	s15 =	sshll.u32 s0, $0xA;
	s2 =	sadd.s32 s3, s2  }
0x5: {  	s2 =	sadd.s32 s2, s15  }
0x6: {  	[smem:$0x3FC2] =	sst s2  }
0x7: {  	_ = 	snop  }
0x8: {  	s2 =	sld [smem:$0x3FD0];
	_ =	sdelay $0x2  }
0x9: {  	s16 =	simm.s32 $0xA;
	s4 =	simm.s32 $0x10  }
0xa: {  	[smem:s4], [sflag:s16] =	dma.local [hbm:s2], $0x1  }
0xb: {  	_ =	swait.eq [sflag:s16], $0x1  }
0xc: {  	[sflag:s16] =	ssyncset.done $0x0  }
0xd: {  	[sflag:s16] =	ssyncadd.s32 $0xFFFFFFFF  }
0xe: {  	s17 =	sld [smem:$0x10];
	(tm) =	ssettm $0x1  }
0xf: {  	s18 =	sld [smem:$0x3FFB];
	_ =	sdelay $0x3  }
0x10: {  	_ =	strace s18  }
0x11: {  	s3 =	sld [smem:$0x3FFC];
	_ =	sdelay $0x3  }
0x12: {  	_ =	strace s3  }
0x13: {  	s3 =	sld [smem:$0x3FFD];
	_ =	sdelay $0x3  }
0x14: {  	_ =	strace s3  }
0x15: {  	_ =	strace $0x8FFFFFFF  }
0x16: {  	s19 =	sld [smem:$0x3FDB];
	_ =	sdelay $0x1  }
0x17: {  	s20 =	simm.s32 $_scs_section_size  }
0x18: {  	s5 =	simm.s32 $_size__tile_overlayer_lowered;
	s6 =	simm.s32 $_tile_overlayer_lowered  }
0x19: {  	s23 =	simm.s32 $0x1BFF;
	s22 =	sshll.u32 s6, $0x1;
	s3 =	sadd.s32 s20, s19  }
0x1a: {  	s7 =	simm.s32 $0x0;
	s21 =	sshll.u32 s5, $0x1;
	s5 =	sadd.s32 s22, s3  }
0x1b: {  	[timem:s7], [sflag:s23] =	dma.local [hbm:s5], s21  }
0x1c: {  	_ =	swait.ge [sflag:s23], s21  }
0x1d: {  	s4 =	ssub.s32 $0x0, s21;
	[sflag:s23] =	ssyncset.done $0x0  }
0x1e: {  	[sflag:s23] =	ssyncadd.s32 s4;
	_ =	sdelay $0x1  }
0x1f: {  	s24 =	simm.s32 $0x1B8B  }
0x20: {  	_ =	swait.ge [sflag:s24], $0x1  }
0x21: {  	[sflag:s24] =	ssyncset.done $0x0  }
0x22: {  	s26 =	simm.s32 $0x1B8E;
	s25 =	sld [smem:$0x3FFE];
	[sflag:s24] =	ssyncadd.s32 $0xFFFFFFFF  }
0x23: {  	s27 =	simm.s32 $execute0_lowered;
	[smem:$0x3FD2] =	sst s26  }
0x24: {  	s5 =	sshll.u32 s27, $0x1;
	_ =	strace $0x80000046;
	[dreg:$0x1] =	wrdreg $0xFFFFFFFF  }
0x25: {  	s28 =	simm.s32 $_size_execute0_lowered;
	s3 =	sadd.s32 s3, s5;
	[dreg:$0x0] =	wrdreg $0x0  }
0x26: {  	s5 =	sshll.u32 s28, $0x1;
	[dreg:$0x2] =	wrdreg s3  }
0x27: {  	[dreg:$0x3] =	wrdreg s5  }
0x28: {  	[dreg:$0x4] =	wrdreg $0xC0  }
0x29: {  	_ =	task [dreg:s7], $0x5FFFF  }
0x2a: {  	[dreg:$0x1] =	wrdreg $0xFFFFFFFF  }
0x2b: {  	[dreg:$0x0] =	wrdreg $0x60  }
0x2c: {  	[dreg:$0x2] =	wrdreg s25  }
0x2d: {  	[dreg:$0x3] =	wrdreg s17  }
0x2e: {  	[dreg:$0x4] =	wrdreg $0x9  }
0x2f: {  	_ =	task.clear_ibuf [dreg:s7], $0x5FFFF;
	_ =	strace $0x90000046  }
0x30: {  	s29 =	simm.s32 $0x9;
	_ =	strace $0x80000048  }
0x31: {  	_ =	swait.ge [sflag:s29], $0x1  }
0x32: {  	[sflag:s29] =	ssyncadd.s32 $0xFFFFFFFF  }
0x33: {  	_ =	strace $0x90000048  }
0x34: {  	_ =	sfence  }
0x35: {  	s30 =	sld [smem:$0x0];
	_ =	sdelay $0x2  }
0x36: {  	s31 =	sshll.u32 s1, $0xD;
	s1 =	sshrl.u32 s1, $0x2  }
0x37: {  	s3 =	sand.u32 $0x4000, s31;
	s1 =	sadd.s32 s1, s30  }
0x38: {  	s0 =	sor.u32 s3, s0;
	s1 =	sshll.u32 s1, $0x11  }
0x39: {  	s0 =	sor.u32 s1, s0  }
0x3a: {  	s0 =	sadd.s32 $0x8F2B, s0  }
0x3b: {  	[sflag:s0] =	ssyncadd.remote.s32 $0x1  }
0x3c: {  	_ =	sfence.sel $0xFFFF  }
0x3d: {  	[dreg:$0x0] =	wrdreg $0xFFFFFFFF;
	(pc) =	sbr.abs _section_cstart, $3  }
0x3e: {  	[dreg:$0x1] =	wrdreg $0xFFFFFFFF  }
0x3f: {  	_ =	task.clear_ibuf [dreg:s7], $0x2FFFF;
	_ =	strace $0x9FFFFFFF  }
0x40: {  	(tm) =	ssettm $0x7FFFFFFF  }
0x41: {  	_ =	shalt  }
tec
execute0_lowered:
.L_overlay_start_1:
0x0: {  	(tag) =	ssettag $0x1  }
0x1: {  	s0 =	srdreg.scid  }
0x2: {  	s1 =	sshll.u32 s0, $0x4  }
0x3: {  	s0 =	stileid.u32;
	s1 =	sand.u32 $0x10, s1  }
0x4: {  	s6 =	rddreg [dreg:$0x0];
	s1 =	sor.u32 s0, s1  }
0x5: {  	s4 =	simm.s32 $0x1;
	s7 =	simm.s32 $0x2;
	s2 =	sshll.u32 s1, $0x4  }
0x6: {  	s14 =	simm.s32 $0x0;
	s8 =	simm.s32 $0x800;
	s1 =	ssub.s32 $0x200, s2  }
0x7: {  	s9 =	simm.s32 $0x1E0000;
	s10 =	simm.s32 $0x0;
	s3 =	sand.u32 $0x1F0, s1  }
0x8: {  	s15 =	simm.s32 $0x0;
	s5 =	sshrl.u32 s1, $0x9;
	p0 =	sne.s32 s3, $0x0  }
.Ltmp0:
0x9: {  	s1 =	rddreg [dreg:$0x2];
	s4 =	simm.s32 @!p0 $0x0;
	(pc) =	sbr.rel .LBB1_1-.Ltmp0, $4  }
0xa: {  	s11 =	simm.s32 $0x0;
	s3 =	rddreg [dreg:$0x1];
	s5 =	sadd.s32 s4, s5  }
0xb: {  	_ =	strace $0x80000047;
	s4 =	simm.s32 $0x1;
	s5 =	smul.u32 $0x1E, s5  }
0xc: {  	s13 =	simm.s32 $0x0;
	s6 =	sadd.s32 $0x11A00, s6;
	[sflag:s4] =	ssyncpa.u1 $0x0  }
0xd: {  	s12 =	smov.u32 s2;
	[sflag:s7] =	ssyncpa.u1 $0x0;
	s7 =	sor.u32 $0x1, s5  }
.LBB1_7:
0xe: {  	s16 =	sadd.s32 $0x1, s11  }
0xf: {  	s14 =	sadd.s32 $0x200, s12;
	s18 =	smov.u32 s12;
	p1 =	sgt.s32 s16, $0x1D  }
0x10: {  	s18 =	smov.u32 @p1 s14  }
0x11: {  	s16 =	simm.s32 @p1 $0x0;
	p1 =	sgt.s32 s18, $0x1FF  }
0x12: {  	s18 =	smov.u32 @p1 s2;
	p1 =	sne.s32 s13, s7  }
.Ltmp1:
0x13: {  	p0 =	slt.u32 s13, $0x2;
	(pc) =	sbr.rel @!p1 .LBB1_8-.Ltmp1, $4  }
0x14: {  	s17 =	simm.s32 @!p0 $0x2  }
0x15: {  	s15 =	smov.u32 s12;
	s10 =	sadd.s32 $0x4000, s10;
	_ =	swait.ge @!p0 [sflag:s17], $0x4000  }
0x16: {  	s14 =	smov.u32 s11;
	[sflag:s17] =	ssyncset.done @!p0 $0x0;
	s11 =	smov.u32 s16  }
0x17: {  	s13 =	sadd.s32 $0x1, s13;
	[sflag:s17] =	ssyncadd.s32 @!p0 $0xFFFFC000;
	s12 =	smov.u32 s18  }
.LBB1_1:
0x18: {  	p0 =	sge.u32 s13, s5  }
0x19: {  	s17 =	smul.u32 @!p0 $0xF00, s12  }
0x1a: {  	s31 =	sadd.s32 $0xFFFFFFFF, s13;
	s16 =	sxor.u32 @!p0 $0xFFFFFFFF, s13;
	s18 =	sshll.u32 @!p0 s11, $0x7  }
0x1b: {  	s19 =	simm.s32 @!p0 $0x7800;
	s16 =	sshll.u32 @!p0 s16, $0xE;
	s17 =	sadd.s32 @!p0 s6, s17  }
0x1c: {  	s16 =	sand.u32 @!p0 $0x4000, s16;
	s17 =	sadd.s32 @!p0 s18, s17;
	s18 =	simm.s32 @!p0 $0x400  }
0x1d: {  	[tilespmem:s16], [sflag:$0x1] =	stream.strided.gather @!p0 [hbm4b:s17+s18], $0x4000, s19, s18, $0x38;
	[tilespmem:$0x10000] =	vst v63  }
0x1e: {  	p0 =	sge.u32 s31, s5  }
.Ltmp2:
0x1f: {  	_ = 	snop;
	(pc) =	sbr.rel @p0 .LBB1_7-.Ltmp2, $1  }
0x20: {  	_ =	sdelay $0x3  }
0x21: {  	s17 =	sand.u32 $0x4000, s10  }
0x22: {  	_ =	swait.ge [sflag:s4], $0x4000;
	s19 =	sshll.u32 s13, $0xE;
	s16 =	sor.u32 $0x8040, s17  }
0x23: {  	s18 =	sor.u32 $0x40, s17;
	[sflag:s4] =	ssyncset.done $0x0;
	s31 =	sand.u32 $0x4000, s19  }
0x24: {  	s19 =	simm.s32 $0x0;
	[sflag:s4] =	ssyncadd.s32 $0xFFFFC000;
	s17 =	sor.u32 $0x8000, s31  }
.LBB1_3:
0x25: {  	v0 =	vmov s18;
	_ =	sdelay $0x3  }
0x26: {  	s21 =	simm.s32 $0x0  }
0x27: {  	v6 =	vld.idx.msk [tilespmem:v0+s21+$0x30 ss:$0x1], $0xffff  }
0x28: {  	v7 =	vld.idx.msk [tilespmem:v0+s21+$0xFFFFFFC0 ss:$0x1], $0xffff  }
0x29: {  	v5 =	vld.idx.msk [tilespmem:v0+s21+$0xFFFFFFD0 ss:$0x1], $0xffff  }
0x2a: {  	v4 =	vld.idx.msk [tilespmem:v0+s21+$0xFFFFFFE0 ss:$0x1], $0xffff  }
0x2b: {  	v3 =	vld.idx.msk [tilespmem:v0+s21+$0xFFFFFFF0 ss:$0x1], $0xffff  }
0x2c: {  	v1 =	vld.idx.msk [tilespmem:v0+s21+$0x0 ss:$0x1], $0xffff  }
0x2d: {  	v2 =	vld.idx.msk [tilespmem:v0+s21+$0x10 ss:$0x1], $0xffff;
	[tilespmem:s16+$0x30] =	vst v6  }
0x2e: {  	s20 =	simm.s32 $0x80;
	s22 =	simm.s32 $0x400;
	[tilespmem:s16+$0xFFFFFFC0] =	vst v7;
	v6 =	vld.idx.msk [tilespmem:v0+s21+$0x20 ss:$0x1], $0xffff;
	s21 =	smov.u32 s16  }
.LBB1_4:
0x2f: {  	p0 =	sne.s32 s22, $0xE00;
	v7 =	vld.idx.msk [tilespmem:v0+s20+$0x30 ss:$0x1], $0xffff;
	[tilespmem:s21+$0xFFFFFFD0] =	vst v5  }
0x30: {  	v8 =	vld.idx.msk [tilespmem:v0+s20+$0xFFFFFFC0 ss:$0x1], $0xffff;
	[tilespmem:s21+$0xFFFFFFE0] =	vst v4  }
0x31: {  	v5 =	vld.idx.msk [tilespmem:v0+s20+$0xFFFFFFD0 ss:$0x1], $0xffff;
	[tilespmem:s21+$0xFFFFFFF0] =	vst v3  }
.Ltmp3:
0x32: {  	v4 =	vld.idx.msk [tilespmem:v0+s20+$0xFFFFFFE0 ss:$0x1], $0xffff;
	[tilespmem:s21+$0x0] =	vst v1;
	(pc) =	sbr.rel @p0 .LBB1_4-.Ltmp3, $4  }
0x33: {  	v3 =	vld.idx.msk [tilespmem:v0+s20+$0xFFFFFFF0 ss:$0x1], $0xffff;
	[tilespmem:s21+$0x10] =	vst v2  }
0x34: {  	v1 =	vld.idx.msk [tilespmem:v0+s20+$0x0 ss:$0x1], $0xffff;
	[tilespmem:s21+$0x20] =	vst v6;
	s21 =	sadd.s32 $0x800, s21  }
0x35: {  	v2 =	vld.idx.msk [tilespmem:v0+s20+$0x10 ss:$0x1], $0xffff;
	[tilespmem:s21+$0x30] =	vst v7  }
0x36: {  	[tilespmem:s21+$0xFFFFFFC0] =	vst v8;
	v6 =	vld.idx.msk [tilespmem:v0+s20+$0x20 ss:$0x1], $0xffff;
	s20 =	sshra.s32 s22, $0x2;
	s22 =	sadd.s32 $0x200, s22  }
0x37: {  	_ =	sdelay $0x2  }
0x38: {  	[tilespmem:s21+$0xFFFFFFD0] =	vst v5  }
0x39: {  	v56 =	vld.idx.msk [tilespmem:v0+s20+$0x30 ss:$0x1], $0xffff;
	[tilespmem:s21+$0xFFFFFFE0] =	vst v4  }
0x3a: {  	v57 =	vld.idx.msk [tilespmem:v0+s20+$0xFFFFFFC0 ss:$0x1], $0xffff;
	[tilespmem:s21+$0xFFFFFFF0] =	vst v3  }
0x3b: {  	v58 =	vld.idx.msk [tilespmem:v0+s20+$0xFFFFFFD0 ss:$0x1], $0xffff;
	[tilespmem:s21+$0x0] =	vst v1  }
0x3c: {  	v59 =	vld.idx.msk [tilespmem:v0+s20+$0xFFFFFFE0 ss:$0x1], $0xffff;
	[tilespmem:s21+$0x10] =	vst v2  }
0x3d: {  	v60 =	vld.idx.msk [tilespmem:v0+s20+$0xFFFFFFF0 ss:$0x1], $0xffff;
	s31 =	sadd.s32 $0x800, s21;
	[tilespmem:s21+$0x20] =	vst v6  }
0x3e: {  	v61 =	vld.idx.msk [tilespmem:v0+s20+$0x0 ss:$0x1], $0xffff;
	[tilespmem:s31+$0x30] =	vst v56  }
0x3f: {  	v62 =	vld.idx.msk [tilespmem:v0+s20+$0x10 ss:$0x1], $0xffff;
	s19 =	sadd.s32 $0x1, s19;
	[tilespmem:s31+$0xFFFFFFC0] =	vst v57  }
0x40: {  	v63 =	vld.idx.msk [tilespmem:v0+s20+$0x20 ss:$0x1], $0xffff;
	p0 =	sne.s32 s19, $0x10;
	[tilespmem:s31+$0xFFFFFFD0] =	vst v58  }
.Ltmp4:
0x41: {  	[tilespmem:s31+$0xFFFFFFE0] =	vst v59;
	(pc) =	sbr.rel @p0 .LBB1_3-.Ltmp4, $4  }
0x42: {  	[tilespmem:s31+$0xFFFFFFF0] =	vst v60  }
0x43: {  	[tilespmem:s31+$0x0] =	vst v61  }
0x44: {  	[tilespmem:s31+$0x10] =	vst v62  }
0x45: {  	s16 =	sadd.s32 $0x80, s16;
	s18 =	sadd.s32 $0x400, s18;
	[tilespmem:s31+$0x20] =	vst v63  }
.Ltmp5:
0x46: {  	s15 =	sshll.u32 s15, $0x4;
	(pc) =	sbr.rel .LBB1_7-.Ltmp5, $4  }
0x47: {  	s15 =	sand.u32 $0x1FF0, s15  }
0x48: {  	s14 =	sshll.u32 s14, $0xD;
	s15 =	sadd.s32 s3, s15  }
0x49: {  	s14 =	sadd.s32 s14, s15  }
0x4a: {  	[hbm4b:s14+s8] =	stream.strided.scatter [tilespmem:s17], [sflag:$0x2], $0x4000, s9, s8, $0x38;
	[tilespmem:$0x10000] =	vst v63  }
.LBB1_8:
0x4b: {  	_ =	sfence.sel $0x180000  }
0x4c: {  	s2 =	simm.s32 $0x1;
	[bflag:$0x0] =	sbarrier.arrive $0xFFFF  }
0x4d: {  	s31 =	simm.s32 $0x2;
	[sflag:s2] =	ssyncpa.u1 $0x1  }
0x4e: {  	[sflag:s31] =	ssyncpa.u1 $0x1  }
0x4f: {  	p0 =	sne.s32 s0, $0x0;
	_ =	strace $0x90000047  }
0x50: {  	s0 =	sadd.s32 @!p0 $0x100000, s1;
	[bflag:$0x2] =	sbarrier.arrive $0xFFFF  }
0x51: {  	[sflag:s0] =	ssyncadd.tile.s32 @!p0 $0x1;
	_ =	shalt  }
.Lfunc_end1:
_tile_overlayer_lowered:
.L_overlay_start_2:
0x52: {  	(tag) =	ssettag $0x2  }
0x53: {  	s0 =	rddreg [dreg:$0x0];
	s2 =	stileid.u32  }
0x54: {  	s1 =	rddreg [dreg:$0x1];
	p0 =	sne.s32 s2, $0x0  }
0x55: {  	s3 =	rddreg [dreg:$0x2];
	[bflag:$0x3] =	sbarrier.arrive $0xFFFF;
	s2 =	simm.s32 @!p0 $0x1C01  }
0x56: {  	[timem:s3], [sflag:s2] =	dma.local @!p0 [hbm:s0], s1  }
0x57: {  	s0 =	simm.s32 @!p0 $0x1  }
0x58: {  	_ =	swait.ge @!p0 [sflag:s0], s1  }
0x59: {  	s1 =	ssub.s32 @!p0 $0x0, s1;
	[sflag:s0] =	ssyncset.done @!p0 $0x0  }
0x5a: {  	[sflag:s0] =	ssyncadd.s32 @!p0 s1  }
0x5b: {  	[bflag:$0x3] =	sbarrier.arrive $0xFFFF  }
0x5c: {  	_ =	shalt  }

</sc_bundles>
